<compile_context>
chip_gen: v7x
topology: tpu7x:2x2x1
jax: 0.10.2.dev20260603
libtpu: 0.0.44.dev20260713+nightly
codegen_flags: <defaults>
</compile_context>

<pallas_src>
import functools
import jax
import jax.numpy as jnp
from jax import lax
from jax.experimental import pallas as pl
from jax.experimental.pallas import tpu as pltpu
from jax.experimental.pallas import tpu_sc as plsc

_N, _C = 32768, 100
_CP = 104
_M = 28672
_S = 4
_B = 3584
_G = _M // (_S * _B)

_NSC = _N - _M
_NW = 32
_RW = _NSC // _NW
_K = 7


def _tc_body(x0, x1, x2, x3, w_ref, b_ref, o_ref):
    w = w_ref[...]
    b = b_ref[0]
    for k, xr in enumerate((x0, x1, x2, x3)):
        t = xr[...] * w
        contrib = jnp.where(t != t, jnp.float32(0.0), t)
        o_ref[k, :] = jnp.sum(contrib, axis=0) + b


def _mk_spec(k):
    return pl.BlockSpec((_CP, _B), lambda i, k=k: (0, k * _G + i))


def _sc_body(x_hbm, wb_hbm, b_hbm, out_hbm, xv, wv, bv, ov, sem, osem):
    wid = lax.axis_index("s") * 2 + lax.axis_index("c")
    base = _M + wid * _RW

    cp = pltpu.async_copy(x_hbm.at[pl.ds(base, _RW)], xv, sem)
    pltpu.sync_copy(wb_hbm, wv)
    pltpu.sync_copy(b_hbm, bv)
    biasvec = bv[...]
    lanes = lax.iota(jnp.int32, 16)
    perms = {h: lanes ^ h for h in (8, 4, 2, 1)}
    masks = {h: (lanes & h) == 0 for h in (8, 4, 2, 1)}
    wk = [wv[k] for k in range(_K)]
    bitrev = (0, 8, 4, 12, 2, 10, 6, 14, 1, 9, 5, 13, 3, 11, 7, 15)

    def _shuf(v, h):
        return v.at[perms[h]].get(mode="promise_in_bounds")

    cp.wait()

    def group_body(g, carry):
        r0 = g * 16
        accs = [None] * 16
        for l in range(16):
            r = r0 + l
            t = xv[r, pl.ds(0, 16)] * wk[0]
            acc = jnp.where(t != t, jnp.float32(0.0), t)
            for k in range(1, 5):
                t = xv[r, pl.ds(16 * k, 16)] * wk[k]
                acc = acc + jnp.where(t != t, jnp.float32(0.0), t)
            t = xv[r, pl.ds(80, 16)] * wk[5]
            acc = acc + jnp.where(t != t, jnp.float32(0.0), t)
            t = xv[r, pl.ds(84, 16)] * wk[6]
            acc = acc + jnp.where(t != t, jnp.float32(0.0), t)
            accs[l] = acc
        vs = [accs[p] for p in bitrev]
        for h in (8, 4, 2, 1):
            nxt = []
            for i in range(0, len(vs), 2):
                fu = vs[i] + _shuf(vs[i], h)
                fv = vs[i + 1] + _shuf(vs[i + 1], h)
                nxt.append(jnp.where(masks[h], fu, fv))
            vs = nxt
        ov[pl.ds(r0, 16)] = vs[0] + biasvec
        return carry

    lax.fori_loop(0, _RW // 16, group_body, 0)
    pltpu.async_copy(ov, out_hbm.at[pl.ds(wid * _RW, _RW)], osem).wait()


def kernel(local_map_predictions, weights_pool, bias):
    x = local_map_predictions
    w = weights_pool

    wb = jnp.zeros((_K, 16), jnp.float32)
    wb = wb.at[0:5, :].set(w[:80].reshape(5, 16))
    wb = wb.at[5, :].set(w[80:96])
    wb = wb.at[6, 12:].set(w[96:100])
    b16 = jnp.full((16,), bias[0], jnp.float32)
    mesh = plsc.VectorSubcoreMesh(core_axis_name="c", subcore_axis_name="s")
    sc_run = functools.partial(
        pl.kernel,
        mesh=mesh,
        out_type=jax.ShapeDtypeStruct((_NSC,), jnp.float32),
        scratch_types=[
            pltpu.VMEM((_RW, _C), jnp.float32),
            pltpu.VMEM((_K, 16), jnp.float32),
            pltpu.VMEM((16,), jnp.float32),
            pltpu.VMEM((_RW,), jnp.float32),
            pltpu.SemaphoreType.DMA,
            pltpu.SemaphoreType.DMA,
        ],
    )(_sc_body)
    out_sc = sc_run(x, wb, b16)

    xt = jnp.swapaxes(x, 0, 1)
    w2 = jnp.zeros((_CP, 1), jnp.float32).at[:_C, 0].set(w)
    out_tc = pl.pallas_call(
        _tc_body,
        grid=(_G,),
        in_specs=[
            _mk_spec(0),
            _mk_spec(1),
            _mk_spec(2),
            _mk_spec(3),
            pl.BlockSpec((_CP, 1), lambda i: (0, 0)),
            pl.BlockSpec(memory_space=pltpu.SMEM),
        ],
        out_specs=pl.BlockSpec((_S, _B), lambda i: (0, i)),
        out_shape=jax.ShapeDtypeStruct((_S, _M // _S), jnp.float32),
    )(xt, xt, xt, xt, w2, bias)

    out = jnp.concatenate([out_tc.reshape(_M), out_sc])
    return out[:, None]

# --- scband reference (transcript-rebuilt; emitter-appended) ---
"""Pipeline reference for scband-logistic-regression-27255862460762 (READ-ONLY COPY).

The authoritative reference and input builder live on the scoring server;
editing this copy changes nothing except your own understanding.
"""

import jax, jax.numpy as jnp
import numpy as np


def setup_inputs(seed: int = 0) -> dict:
    key = jax.random.key(seed)
    k1, k2, k3 = jax.random.split(key, 3)
    local_map_predictions = jax.random.normal(k1, (32768, 100), dtype=jnp.float32)
    # Learned parameters sized as in __init__: weights_pool of 100 scalars, scalar bias.
    weights_pool = jax.random.normal(k2, (100,), dtype=jnp.float32)
    bias = jax.random.normal(k3, (1,), dtype=jnp.float32)
    return {
        "local_map_predictions": local_map_predictions,
        "weights_pool": weights_pool,
        "bias": bias,
    }


def reference(local_map_predictions, weights_pool, bias):
    # The torch module allocates one weight per input column from weights_pool,
    # then, grouping rows by their count of non-NaN entries, computes for each row
    # the sum over its non-NaN columns j of x[i, j] * w[j], plus bias.
    # This is mathematically identical to a NaN-masked weighted row sum:
    #   out[i] = sum_j [not isnan(x[i,j])] * x[i,j] * w[j] + bias
    # inference=False (the default), so no sigmoid is applied.
    C = local_map_predictions.shape[1]
    w = weights_pool[:C]
    mask = jnp.logical_not(jnp.isnan(local_map_predictions))
    contrib = jnp.where(mask, local_map_predictions * w[None, :], jnp.float32(0.0))
    linear_combinations = jnp.sum(contrib, axis=1) + bias[0]
    return linear_combinations[:, None]

if __name__ == "__main__":
    import jax
    _d = setup_inputs()
    print(jax.jit(kernel)(*tuple(_d.values())))

</pallas_src>

<mosaic_0001>
#map = affine_map<(d0, d1) -> (0, 0)>
#map1 = affine_map<(d0, d1) -> (0)>
module attributes {stable_mosaic.version = 14 : i64} {
  func.func @_sc_body(%arg0: i32, %arg1: i32, %arg2: memref<32768x100xf32, #tpu.memory_space<hbm>>, %arg3: memref<7x16xf32, #tpu.memory_space<hbm>>, %arg4: memref<16xf32, #tpu.memory_space<hbm>>, %arg5: memref<4096xf32, #tpu.memory_space<hbm>>, %arg6: memref<128x100xf32, #tpu.memory_space<vmem>>, %arg7: memref<7x16xf32, #tpu.memory_space<vmem>>, %arg8: memref<16xf32, #tpu.memory_space<vmem>>, %arg9: memref<128xf32, #tpu.memory_space<vmem>>, %arg10: memref<!tpu.dma_semaphore, #tpu.memory_space<semaphore_mem>>, %arg11: memref<!tpu.dma_semaphore, #tpu.memory_space<semaphore_mem>>) attributes {dimension_semantics = [#tpu.dimension_semantics<core_parallel>, #tpu.dimension_semantics<subcore_parallel>], iteration_bounds = array<i64: 2, 16>, scalar_prefetch = 0 : i64, scratch_operands = 6 : i64, tpu.core_type = #tpu.core_type<sc_vector_subcore>, window_params = [{transform_indices = #map}, {transform_indices = #map}, {transform_indices = #map1}, {transform_indices = #map1}]} {
    %mul3A = arith.constant 2 : i32
    %mul3A_0 = arith.muli %arg1, %mul3A : i32
    %add3A = arith.addi %mul3A_0, %arg0 : i32
    %mul3A_1 = arith.constant 128 : i32
    %mul3A_2 = arith.muli %add3A, %mul3A_1 : i32
    %add3A_3 = arith.constant 28672 : i32
    %add3A_4 = arith.addi %add3A_3, %mul3A_2 : i32
    %dma_start3A = arith.constant 0 : i32
    %dma_start3A_5 = tpu.memref_slice %arg2[%add3A_4, %dma_start3A] : memref<32768x100xf32, #tpu.memory_space<hbm>> -> memref<128x100xf32, #tpu.memory_space<hbm>>
    %dma_start3A_6 = arith.constant 0 : i32
    %dma_start3A_7 = tpu.memref_slice %arg2[%add3A_4, %dma_start3A_6] : memref<32768x100xf32, #tpu.memory_space<hbm>> -> memref<128x100xf32, #tpu.memory_space<hbm>>
    tpu.enqueue_dma source(%dma_start3A_7 : memref<128x100xf32, #tpu.memory_space<hbm>>) target(%arg6 : memref<128x100xf32, #tpu.memory_space<vmem>>) target_semaphore(%arg10 : memref<!tpu.dma_semaphore, #tpu.memory_space<semaphore_mem>>)
    "tpu.region"() ({
      %run_scoped3A = tpu.sem_alloc : memref<!tpu.dma_semaphore, #tpu.memory_space<semaphore_mem>>
      tpu.enqueue_dma source(%arg3 : memref<7x16xf32, #tpu.memory_space<hbm>>) target(%arg7 : memref<7x16xf32, #tpu.memory_space<vmem>>) target_semaphore(%run_scoped3A : memref<!tpu.dma_semaphore, #tpu.memory_space<semaphore_mem>>)
      tpu.wait_dma2 semaphore(%run_scoped3A : memref<!tpu.dma_semaphore, #tpu.memory_space<semaphore_mem>>) src(%arg3 : memref<7x16xf32, #tpu.memory_space<hbm>>) dst(%arg7 : memref<7x16xf32, #tpu.memory_space<vmem>>)
      tpu.yield
    }) : () -> ()
    "tpu.region"() ({
      %run_scoped3A = tpu.sem_alloc : memref<!tpu.dma_semaphore, #tpu.memory_space<semaphore_mem>>
      tpu.enqueue_dma source(%arg4 : memref<16xf32, #tpu.memory_space<hbm>>) target(%arg8 : memref<16xf32, #tpu.memory_space<vmem>>) target_semaphore(%run_scoped3A : memref<!tpu.dma_semaphore, #tpu.memory_space<semaphore_mem>>)
      tpu.wait_dma2 semaphore(%run_scoped3A : memref<!tpu.dma_semaphore, #tpu.memory_space<semaphore_mem>>) src(%arg4 : memref<16xf32, #tpu.memory_space<hbm>>) dst(%arg8 : memref<16xf32, #tpu.memory_space<vmem>>)
      tpu.yield
    }) : () -> ()
    %get3A = arith.constant 0 : index
    %get3A_8 = tpu.vector_load %arg8[%get3A] {strides = array<i32>} : memref<16xf32, #tpu.memory_space<vmem>>, vector<16xf32>,
    %get3A_9 = vector.shape_cast %get3A_8 : vector<16xf32> to vector<16xf32>
    %iota3A = tpu.iota {dimensions = array<i32: 0>} : vector<16xi32>
    %xor3A = arith.constant 8 : i32
    %xor3A_10 = vector.broadcast %xor3A : i32 to vector<16xi32>
    %xor3A_11 = arith.xori %iota3A, %xor3A_10 : vector<16xi32>
    %xor3A_12 = arith.constant 4 : i32
    %xor3A_13 = vector.broadcast %xor3A_12 : i32 to vector<16xi32>
    %xor3A_14 = arith.xori %iota3A, %xor3A_13 : vector<16xi32>
    %xor3A_15 = arith.constant 2 : i32
    %xor3A_16 = vector.broadcast %xor3A_15 : i32 to vector<16xi32>
    %xor3A_17 = arith.xori %iota3A, %xor3A_16 : vector<16xi32>
    %xor3A_18 = arith.constant 1 : i32
    %xor3A_19 = vector.broadcast %xor3A_18 : i32 to vector<16xi32>
    %xor3A_20 = arith.xori %iota3A, %xor3A_19 : vector<16xi32>
    %and3A = arith.constant 8 : i32
    %and3A_21 = vector.broadcast %and3A : i32 to vector<16xi32>
    %and3A_22 = arith.andi %iota3A, %and3A_21 : vector<16xi32>
    %eq3A = arith.constant 0 : i32
    %eq3A_23 = vector.broadcast %eq3A : i32 to vector<16xi32>
    %eq3A_24 = arith.cmpi eq, %and3A_22, %eq3A_23 : vector<16xi32>
    %and3A_25 = arith.constant 4 : i32
    %and3A_26 = vector.broadcast %and3A_25 : i32 to vector<16xi32>
    %and3A_27 = arith.andi %iota3A, %and3A_26 : vector<16xi32>
    %eq3A_28 = arith.constant 0 : i32
    %eq3A_29 = vector.broadcast %eq3A_28 : i32 to vector<16xi32>
    %eq3A_30 = arith.cmpi eq, %and3A_27, %eq3A_29 : vector<16xi32>
    %and3A_31 = arith.constant 2 : i32
    %and3A_32 = vector.broadcast %and3A_31 : i32 to vector<16xi32>
    %and3A_33 = arith.andi %iota3A, %and3A_32 : vector<16xi32>
    %eq3A_34 = arith.constant 0 : i32
    %eq3A_35 = vector.broadcast %eq3A_34 : i32 to vector<16xi32>
    %eq3A_36 = arith.cmpi eq, %and3A_33, %eq3A_35 : vector<16xi32>
    %and3A_37 = arith.constant 1 : i32
    %and3A_38 = vector.broadcast %and3A_37 : i32 to vector<16xi32>
    %and3A_39 = arith.andi %iota3A, %and3A_38 : vector<16xi32>
    %eq3A_40 = arith.constant 0 : i32
    %eq3A_41 = vector.broadcast %eq3A_40 : i32 to vector<16xi32>
    %eq3A_42 = arith.cmpi eq, %and3A_39, %eq3A_41 : vector<16xi32>
    %get3A_43 = arith.constant 0 : i32
    %get3A_44 = arith.index_cast %get3A_43 : i32 to index
    %get3A_45 = arith.constant 0 : index
    %get3A_46 = tpu.vector_load %arg7[%get3A_44, %get3A_45] {strides = array<i32>} : memref<7x16xf32, #tpu.memory_space<vmem>>, vector<1x16xf32>,
    %get3A_47 = vector.shape_cast %get3A_46 : vector<1x16xf32> to vector<16xf32>
    %get3A_48 = arith.constant 1 : i32
    %get3A_49 = arith.index_cast %get3A_48 : i32 to index
    %get3A_50 = arith.constant 0 : index
    %get3A_51 = tpu.vector_load %arg7[%get3A_49, %get3A_50] {strides = array<i32>} : memref<7x16xf32, #tpu.memory_space<vmem>>, vector<1x16xf32>,
    %get3A_52 = vector.shape_cast %get3A_51 : vector<1x16xf32> to vector<16xf32>
    %get3A_53 = arith.constant 2 : i32
    %get3A_54 = arith.index_cast %get3A_53 : i32 to index
    %get3A_55 = arith.constant 0 : index
    %get3A_56 = tpu.vector_load %arg7[%get3A_54, %get3A_55] {strides = array<i32>} : memref<7x16xf32, #tpu.memory_space<vmem>>, vector<1x16xf32>,
    %get3A_57 = vector.shape_cast %get3A_56 : vector<1x16xf32> to vector<16xf32>
    %get3A_58 = arith.constant 3 : i32
    %get3A_59 = arith.index_cast %get3A_58 : i32 to index
    %get3A_60 = arith.constant 0 : index
    %get3A_61 = tpu.vector_load %arg7[%get3A_59, %get3A_60] {strides = array<i32>} : memref<7x16xf32, #tpu.memory_space<vmem>>, vector<1x16xf32>,
    %get3A_62 = vector.shape_cast %get3A_61 : vector<1x16xf32> to vector<16xf32>
    %get3A_63 = arith.constant 4 : i32
    %get3A_64 = arith.index_cast %get3A_63 : i32 to index
    %get3A_65 = arith.constant 0 : index
    %get3A_66 = tpu.vector_load %arg7[%get3A_64, %get3A_65] {strides = array<i32>} : memref<7x16xf32, #tpu.memory_space<vmem>>, vector<1x16xf32>,
    %get3A_67 = vector.shape_cast %get3A_66 : vector<1x16xf32> to vector<16xf32>
    %get3A_68 = arith.constant 5 : i32
    %get3A_69 = arith.index_cast %get3A_68 : i32 to index
    %get3A_70 = arith.constant 0 : index
    %get3A_71 = tpu.vector_load %arg7[%get3A_69, %get3A_70] {strides = array<i32>} : memref<7x16xf32, #tpu.memory_space<vmem>>, vector<1x16xf32>,
    %get3A_72 = vector.shape_cast %get3A_71 : vector<1x16xf32> to vector<16xf32>
    %get3A_73 = arith.constant 6 : i32
    %get3A_74 = arith.index_cast %get3A_73 : i32 to index
    %get3A_75 = arith.constant 0 : index
    %get3A_76 = tpu.vector_load %arg7[%get3A_74, %get3A_75] {strides = array<i32>} : memref<7x16xf32, #tpu.memory_space<vmem>>, vector<1x16xf32>,
    %get3A_77 = vector.shape_cast %get3A_76 : vector<1x16xf32> to vector<16xf32>
    %dma_wait3A = arith.constant 0 : i32
    %dma_wait3A_78 = tpu.memref_slice %arg2[%add3A_4, %dma_wait3A] : memref<32768x100xf32, #tpu.memory_space<hbm>> -> memref<128x100xf32, #tpu.memory_space<hbm>>
    %dma_wait3A_79 = arith.constant 0 : i32
    %dma_wait3A_80 = tpu.memref_slice %arg2[%add3A_4, %dma_wait3A_79] : memref<32768x100xf32, #tpu.memory_space<hbm>> -> memref<128x100xf32, #tpu.memory_space<hbm>>
    tpu.wait_dma2 semaphore(%arg10 : memref<!tpu.dma_semaphore, #tpu.memory_space<semaphore_mem>>) src(%dma_wait3A_80 : memref<128x100xf32, #tpu.memory_space<hbm>>) dst(%arg6 : memref<128x100xf32, #tpu.memory_space<vmem>>)
    %scan3A = arith.constant 0 : i32
    %scan3A_81 = arith.constant 0 : i32
    %scan3A_82 = arith.constant 8 : i32
    %scan3A_83 = arith.addi %scan3A_81, %scan3A_82 : i32
    %scan3A_84 = arith.constant 1 : i32
    scf.for %scan3A_92 = %scan3A_81 to %scan3A_83 step %scan3A_84  : i32 {
      %mul3A_93 = arith.constant 16 : i32
      %mul3A_94 = arith.muli %scan3A_92, %mul3A_93 : i32
      %add3A_95 = arith.constant 0 : i32
      %add3A_96 = arith.addi %mul3A_94, %add3A_95 : i32
      %get3A_97 = arith.index_cast %add3A_96 : i32 to index
      %get3A_98 = arith.constant 0 : index
      %get3A_99 = tpu.vector_load %arg6[%get3A_97, %get3A_98] {strides = array<i32>} : memref<128x100xf32, #tpu.memory_space<vmem>>, vector<1x16xf32>,
      %get3A_100 = vector.shape_cast %get3A_99 : vector<1x16xf32> to vector<16xf32>
      %mul3A_101 = arith.mulf %get3A_100, %get3A_47 : vector<16xf32>
      %ne3A = arith.cmpf one, %mul3A_101, %mul3A_101 : vector<16xf32>
      %jit3A = arith.constant 0.000000e+00 : f32
      %broadcast_in_dim3A = vector.broadcast %jit3A : f32 to vector<16xf32>
      %select_n3A = arith.select %ne3A, %broadcast_in_dim3A, %mul3A_101 : vector<16xi1>, vector<16xf32>
      %get3A_102 = arith.index_cast %add3A_96 : i32 to index
      %get3A_103 = arith.constant 16 : index
      %get3A_104 = tpu.vector_load %arg6[%get3A_102, %get3A_103] {strides = array<i32>} : memref<128x100xf32, #tpu.memory_space<vmem>>, vector<1x16xf32>,
      %get3A_105 = vector.shape_cast %get3A_104 : vector<1x16xf32> to vector<16xf32>
      %mul3A_106 = arith.mulf %get3A_105, %get3A_52 : vector<16xf32>
      %ne3A_107 = arith.cmpf one, %mul3A_106, %mul3A_106 : vector<16xf32>
      %jit3A_108 = arith.constant 0.000000e+00 : f32
      %broadcast_in_dim3A_109 = vector.broadcast %jit3A_108 : f32 to vector<16xf32>
      %select_n3A_110 = arith.select %ne3A_107, %broadcast_in_dim3A_109, %mul3A_106 : vector<16xi1>, vector<16xf32>
      %add3A_111 = arith.addf %select_n3A, %select_n3A_110 : vector<16xf32>
      %get3A_112 = arith.index_cast %add3A_96 : i32 to index
      %get3A_113 = arith.constant 32 : index
      %get3A_114 = tpu.vector_load %arg6[%get3A_112, %get3A_113] {strides = array<i32>} : memref<128x100xf32, #tpu.memory_space<vmem>>, vector<1x16xf32>,
      %get3A_115 = vector.shape_cast %get3A_114 : vector<1x16xf32> to vector<16xf32>
      %mul3A_116 = arith.mulf %get3A_115, %get3A_57 : vector<16xf32>
      %ne3A_117 = arith.cmpf one, %mul3A_116, %mul3A_116 : vector<16xf32>
      %jit3A_118 = arith.constant 0.000000e+00 : f32
      %broadcast_in_dim3A_119 = vector.broadcast %jit3A_118 : f32 to vector<16xf32>
      %select_n3A_120 = arith.select %ne3A_117, %broadcast_in_dim3A_119, %mul3A_116 : vector<16xi1>, vector<16xf32>
      %add3A_121 = arith.addf %add3A_111, %select_n3A_120 : vector<16xf32>
      %get3A_122 = arith.index_cast %add3A_96 : i32 to index
      %get3A_123 = arith.constant 48 : index
      %get3A_124 = tpu.vector_load %arg6[%get3A_122, %get3A_123] {strides = array<i32>} : memref<128x100xf32, #tpu.memory_space<vmem>>, vector<1x16xf32>,
      %get3A_125 = vector.shape_cast %get3A_124 : vector<1x16xf32> to vector<16xf32>
      %mul3A_126 = arith.mulf %get3A_125, %get3A_62 : vector<16xf32>
      %ne3A_127 = arith.cmpf one, %mul3A_126, %mul3A_126 : vector<16xf32>
      %jit3A_128 = arith.constant 0.000000e+00 : f32
      %broadcast_in_dim3A_129 = vector.broadcast %jit3A_128 : f32 to vector<16xf32>
      %select_n3A_130 = arith.select %ne3A_127, %broadcast_in_dim3A_129, %mul3A_126 : vector<16xi1>, vector<16xf32>
      %add3A_131 = arith.addf %add3A_121, %select_n3A_130 : vector<16xf32>
      %get3A_132 = arith.index_cast %add3A_96 : i32 to index
      %get3A_133 = arith.constant 64 : index
      %get3A_134 = tpu.vector_load %arg6[%get3A_132, %get3A_133] {strides = array<i32>} : memref<128x100xf32, #tpu.memory_space<vmem>>, vector<1x16xf32>,
      %get3A_135 = vector.shape_cast %get3A_134 : vector<1x16xf32> to vector<16xf32>
      %mul3A_136 = arith.mulf %get3A_135, %get3A_67 : vector<16xf32>
      %ne3A_137 = arith.cmpf one, %mul3A_136, %mul3A_136 : vector<16xf32>
      %jit3A_138 = arith.constant 0.000000e+00 : f32
      %broadcast_in_dim3A_139 = vector.broadcast %jit3A_138 : f32 to vector<16xf32>
      %select_n3A_140 = arith.select %ne3A_137, %broadcast_in_dim3A_139, %mul3A_136 : vector<16xi1>, vector<16xf32>
      %add3A_141 = arith.addf %add3A_131, %select_n3A_140 : vector<16xf32>
      %get3A_142 = arith.index_cast %add3A_96 : i32 to index
      %get3A_143 = arith.constant 80 : index
      %get3A_144 = tpu.vector_load %arg6[%get3A_142, %get3A_143] {strides = array<i32>} : memref<128x100xf32, #tpu.memory_space<vmem>>, vector<1x16xf32>,
      %get3A_145 = vector.shape_cast %get3A_144 : vector<1x16xf32> to vector<16xf32>
      %mul3A_146 = arith.mulf %get3A_145, %get3A_72 : vector<16xf32>
      %ne3A_147 = arith.cmpf one, %mul3A_146, %mul3A_146 : vector<16xf32>
      %jit3A_148 = arith.constant 0.000000e+00 : f32
      %broadcast_in_dim3A_149 = vector.broadcast %jit3A_148 : f32 to vector<16xf32>
      %select_n3A_150 = arith.select %ne3A_147, %broadcast_in_dim3A_149, %mul3A_146 : vector<16xi1>, vector<16xf32>
      %add3A_151 = arith.addf %add3A_141, %select_n3A_150 : vector<16xf32>
      %get3A_152 = arith.index_cast %add3A_96 : i32 to index
      %get3A_153 = arith.constant 84 : index
      %get3A_154 = tpu.vector_load %arg6[%get3A_152, %get3A_153] {strides = array<i32>} : memref<128x100xf32, #tpu.memory_space<vmem>>, vector<1x16xf32>,
      %get3A_155 = vector.shape_cast %get3A_154 : vector<1x16xf32> to vector<16xf32>
      %mul3A_156 = arith.mulf %get3A_155, %get3A_77 : vector<16xf32>
      %ne3A_157 = arith.cmpf one, %mul3A_156, %mul3A_156 : vector<16xf32>
      %jit3A_158 = arith.constant 0.000000e+00 : f32
      %broadcast_in_dim3A_159 = vector.broadcast %jit3A_158 : f32 to vector<16xf32>
      %select_n3A_160 = arith.select %ne3A_157, %broadcast_in_dim3A_159, %mul3A_156 : vector<16xi1>, vector<16xf32>
      %add3A_161 = arith.addf %add3A_151, %select_n3A_160 : vector<16xf32>
      %add3A_162 = arith.constant 1 : i32
      %add3A_163 = arith.addi %mul3A_94, %add3A_162 : i32
      %get3A_164 = arith.index_cast %add3A_163 : i32 to index
      %get3A_165 = arith.constant 0 : index
      %get3A_166 = tpu.vector_load %arg6[%get3A_164, %get3A_165] {strides = array<i32>} : memref<128x100xf32, #tpu.memory_space<vmem>>, vector<1x16xf32>,
      %get3A_167 = vector.shape_cast %get3A_166 : vector<1x16xf32> to vector<16xf32>
      %mul3A_168 = arith.mulf %get3A_167, %get3A_47 : vector<16xf32>
      %ne3A_169 = arith.cmpf one, %mul3A_168, %mul3A_168 : vector<16xf32>
      %jit3A_170 = arith.constant 0.000000e+00 : f32
      %broadcast_in_dim3A_171 = vector.broadcast %jit3A_170 : f32 to vector<16xf32>
      %select_n3A_172 = arith.select %ne3A_169, %broadcast_in_dim3A_171, %mul3A_168 : vector<16xi1>, vector<16xf32>
      %get3A_173 = arith.index_cast %add3A_163 : i32 to index
      %get3A_174 = arith.constant 16 : index
      %get3A_175 = tpu.vector_load %arg6[%get3A_173, %get3A_174] {strides = array<i32>} : memref<128x100xf32, #tpu.memory_space<vmem>>, vector<1x16xf32>,
      %get3A_176 = vector.shape_cast %get3A_175 : vector<1x16xf32> to vector<16xf32>
      %mul3A_177 = arith.mulf %get3A_176, %get3A_52 : vector<16xf32>
      %ne3A_178 = arith.cmpf one, %mul3A_177, %mul3A_177 : vector<16xf32>
      %jit3A_179 = arith.constant 0.000000e+00 : f32
      %broadcast_in_dim3A_180 = vector.broadcast %jit3A_179 : f32 to vector<16xf32>
      %select_n3A_181 = arith.select %ne3A_178, %broadcast_in_dim3A_180, %mul3A_177 : vector<16xi1>, vector<16xf32>
      %add3A_182 = arith.addf %select_n3A_172, %select_n3A_181 : vector<16xf32>
      %get3A_183 = arith.index_cast %add3A_163 : i32 to index
      %get3A_184 = arith.constant 32 : index
      %get3A_185 = tpu.vector_load %arg6[%get3A_183, %get3A_184] {strides = array<i32>} : memref<128x100xf32, #tpu.memory_space<vmem>>, vector<1x16xf32>,
      %get3A_186 = vector.shape_cast %get3A_185 : vector<1x16xf32> to vector<16xf32>
      %mul3A_187 = arith.mulf %get3A_186, %get3A_57 : vector<16xf32>
      %ne3A_188 = arith.cmpf one, %mul3A_187, %mul3A_187 : vector<16xf32>
      %jit3A_189 = arith.constant 0.000000e+00 : f32
      %broadcast_in_dim3A_190 = vector.broadcast %jit3A_189 : f32 to vector<16xf32>
      %select_n3A_191 = arith.select %ne3A_188, %broadcast_in_dim3A_190, %mul3A_187 : vector<16xi1>, vector<16xf32>
      %add3A_192 = arith.addf %add3A_182, %select_n3A_191 : vector<16xf32>
      %get3A_193 = arith.index_cast %add3A_163 : i32 to index
      %get3A_194 = arith.constant 48 : index
      %get3A_195 = tpu.vector_load %arg6[%get3A_193, %get3A_194] {strides = array<i32>} : memref<128x100xf32, #tpu.memory_space<vmem>>, vector<1x16xf32>,
      %get3A_196 = vector.shape_cast %get3A_195 : vector<1x16xf32> to vector<16xf32>
      %mul3A_197 = arith.mulf %get3A_196, %get3A_62 : vector<16xf32>
      %ne3A_198 = arith.cmpf one, %mul3A_197, %mul3A_197 : vector<16xf32>
      %jit3A_199 = arith.constant 0.000000e+00 : f32
      %broadcast_in_dim3A_200 = vector.broadcast %jit3A_199 : f32 to vector<16xf32>
      %select_n3A_201 = arith.select %ne3A_198, %broadcast_in_dim3A_200, %mul3A_197 : vector<16xi1>, vector<16xf32>
      %add3A_202 = arith.addf %add3A_192, %select_n3A_201 : vector<16xf32>
      %get3A_203 = arith.index_cast %add3A_163 : i32 to index
      %get3A_204 = arith.constant 64 : index
      %get3A_205 = tpu.vector_load %arg6[%get3A_203, %get3A_204] {strides = array<i32>} : memref<128x100xf32, #tpu.memory_space<vmem>>, vector<1x16xf32>,
      %get3A_206 = vector.shape_cast %get3A_205 : vector<1x16xf32> to vector<16xf32>
      %mul3A_207 = arith.mulf %get3A_206, %get3A_67 : vector<16xf32>
      %ne3A_208 = arith.cmpf one, %mul3A_207, %mul3A_207 : vector<16xf32>
      %jit3A_209 = arith.constant 0.000000e+00 : f32
      %broadcast_in_dim3A_210 = vector.broadcast %jit3A_209 : f32 to vector<16xf32>
      %select_n3A_211 = arith.select %ne3A_208, %broadcast_in_dim3A_210, %mul3A_207 : vector<16xi1>, vector<16xf32>
      %add3A_212 = arith.addf %add3A_202, %select_n3A_211 : vector<16xf32>
      %get3A_213 = arith.index_cast %add3A_163 : i32 to index
      %get3A_214 = arith.constant 80 : index
      %get3A_215 = tpu.vector_load %arg6[%get3A_213, %get3A_214] {strides = array<i32>} : memref<128x100xf32, #tpu.memory_space<vmem>>, vector<1x16xf32>,
      %get3A_216 = vector.shape_cast %get3A_215 : vector<1x16xf32> to vector<16xf32>
      %mul3A_217 = arith.mulf %get3A_216, %get3A_72 : vector<16xf32>
      %ne3A_218 = arith.cmpf one, %mul3A_217, %mul3A_217 : vector<16xf32>
      %jit3A_219 = arith.constant 0.000000e+00 : f32
      %broadcast_in_dim3A_220 = vector.broadcast %jit3A_219 : f32 to vector<16xf32>
      %select_n3A_221 = arith.select %ne3A_218, %broadcast_in_dim3A_220, %mul3A_217 : vector<16xi1>, vector<16xf32>
      %add3A_222 = arith.addf %add3A_212, %select_n3A_221 : vector<16xf32>
      %get3A_223 = arith.index_cast %add3A_163 : i32 to index
      %get3A_224 = arith.constant 84 : index
      %get3A_225 = tpu.vector_load %arg6[%get3A_223, %get3A_224] {strides = array<i32>} : memref<128x100xf32, #tpu.memory_space<vmem>>, vector<1x16xf32>,
      %get3A_226 = vector.shape_cast %get3A_225 : vector<1x16xf32> to vector<16xf32>
      %mul3A_227 = arith.mulf %get3A_226, %get3A_77 : vector<16xf32>
      %ne3A_228 = arith.cmpf one, %mul3A_227, %mul3A_227 : vector<16xf32>
      %jit3A_229 = arith.constant 0.000000e+00 : f32
      %broadcast_in_dim3A_230 = vector.broadcast %jit3A_229 : f32 to vector<16xf32>
      %select_n3A_231 = arith.select %ne3A_228, %broadcast_in_dim3A_230, %mul3A_227 : vector<16xi1>, vector<16xf32>
      %add3A_232 = arith.addf %add3A_222, %select_n3A_231 : vector<16xf32>
      %add3A_233 = arith.constant 2 : i32
      %add3A_234 = arith.addi %mul3A_94, %add3A_233 : i32
      %get3A_235 = arith.index_cast %add3A_234 : i32 to index
      %get3A_236 = arith.constant 0 : index
      %get3A_237 = tpu.vector_load %arg6[%get3A_235, %get3A_236] {strides = array<i32>} : memref<128x100xf32, #tpu.memory_space<vmem>>, vector<1x16xf32>,
      %get3A_238 = vector.shape_cast %get3A_237 : vector<1x16xf32> to vector<16xf32>
      %mul3A_239 = arith.mulf %get3A_238, %get3A_47 : vector<16xf32>
      %ne3A_240 = arith.cmpf one, %mul3A_239, %mul3A_239 : vector<16xf32>
      %jit3A_241 = arith.constant 0.000000e+00 : f32
      %broadcast_in_dim3A_242 = vector.broadcast %jit3A_241 : f32 to vector<16xf32>
      %select_n3A_243 = arith.select %ne3A_240, %broadcast_in_dim3A_242, %mul3A_239 : vector<16xi1>, vector<16xf32>
      %get3A_244 = arith.index_cast %add3A_234 : i32 to index
      %get3A_245 = arith.constant 16 : index
      %get3A_246 = tpu.vector_load %arg6[%get3A_244, %get3A_245] {strides = array<i32>} : memref<128x100xf32, #tpu.memory_space<vmem>>, vector<1x16xf32>,
      %get3A_247 = vector.shape_cast %get3A_246 : vector<1x16xf32> to vector<16xf32>
      %mul3A_248 = arith.mulf %get3A_247, %get3A_52 : vector<16xf32>
      %ne3A_249 = arith.cmpf one, %mul3A_248, %mul3A_248 : vector<16xf32>
      %jit3A_250 = arith.constant 0.000000e+00 : f32
      %broadcast_in_dim3A_251 = vector.broadcast %jit3A_250 : f32 to vector<16xf32>
      %select_n3A_252 = arith.select %ne3A_249, %broadcast_in_dim3A_251, %mul3A_248 : vector<16xi1>, vector<16xf32>
      %add3A_253 = arith.addf %select_n3A_243, %select_n3A_252 : vector<16xf32>
      %get3A_254 = arith.index_cast %add3A_234 : i32 to index
      %get3A_255 = arith.constant 32 : index
      %get3A_256 = tpu.vector_load %arg6[%get3A_254, %get3A_255] {strides = array<i32>} : memref<128x100xf32, #tpu.memory_space<vmem>>, vector<1x16xf32>,
      %get3A_257 = vector.shape_cast %get3A_256 : vector<1x16xf32> to vector<16xf32>
      %mul3A_258 = arith.mulf %get3A_257, %get3A_57 : vector<16xf32>
      %ne3A_259 = arith.cmpf one, %mul3A_258, %mul3A_258 : vector<16xf32>
      %jit3A_260 = arith.constant 0.000000e+00 : f32
      %broadcast_in_dim3A_261 = vector.broadcast %jit3A_260 : f32 to vector<16xf32>
      %select_n3A_262 = arith.select %ne3A_259, %broadcast_in_dim3A_261, %mul3A_258 : vector<16xi1>, vector<16xf32>
      %add3A_263 = arith.addf %add3A_253, %select_n3A_262 : vector<16xf32>
      %get3A_264 = arith.index_cast %add3A_234 : i32 to index
      %get3A_265 = arith.constant 48 : index
      %get3A_266 = tpu.vector_load %arg6[%get3A_264, %get3A_265] {strides = array<i32>} : memref<128x100xf32, #tpu.memory_space<vmem>>, vector<1x16xf32>,
      %get3A_267 = vector.shape_cast %get3A_266 : vector<1x16xf32> to vector<16xf32>
      %mul3A_268 = arith.mulf %get3A_267, %get3A_62 : vector<16xf32>
      %ne3A_269 = arith.cmpf one, %mul3A_268, %mul3A_268 : vector<16xf32>
      %jit3A_270 = arith.constant 0.000000e+00 : f32
      %broadcast_in_dim3A_271 = vector.broadcast %jit3A_270 : f32 to vector<16xf32>
      %select_n3A_272 = arith.select %ne3A_269, %broadcast_in_dim3A_271, %mul3A_268 : vector<16xi1>, vector<16xf32>
      %add3A_273 = arith.addf %add3A_263, %select_n3A_272 : vector<16xf32>
      %get3A_274 = arith.index_cast %add3A_234 : i32 to index
      %get3A_275 = arith.constant 64 : index
      %get3A_276 = tpu.vector_load %arg6[%get3A_274, %get3A_275] {strides = array<i32>} : memref<128x100xf32, #tpu.memory_space<vmem>>, vector<1x16xf32>,
      %get3A_277 = vector.shape_cast %get3A_276 : vector<1x16xf32> to vector<16xf32>
      %mul3A_278 = arith.mulf %get3A_277, %get3A_67 : vector<16xf32>
      %ne3A_279 = arith.cmpf one, %mul3A_278, %mul3A_278 : vector<16xf32>
      %jit3A_280 = arith.constant 0.000000e+00 : f32
      %broadcast_in_dim3A_281 = vector.broadcast %jit3A_280 : f32 to vector<16xf32>
      %select_n3A_282 = arith.select %ne3A_279, %broadcast_in_dim3A_281, %mul3A_278 : vector<16xi1>, vector<16xf32>
      %add3A_283 = arith.addf %add3A_273, %select_n3A_282 : vector<16xf32>
      %get3A_284 = arith.index_cast %add3A_234 : i32 to index
      %get3A_285 = arith.constant 80 : index
      %get3A_286 = tpu.vector_load %arg6[%get3A_284, %get3A_285] {strides = array<i32>} : memref<128x100xf32, #tpu.memory_space<vmem>>, vector<1x16xf32>,
      %get3A_287 = vector.shape_cast %get3A_286 : vector<1x16xf32> to vector<16xf32>
      %mul3A_288 = arith.mulf %get3A_287, %get3A_72 : vector<16xf32>
      %ne3A_289 = arith.cmpf one, %mul3A_288, %mul3A_288 : vector<16xf32>
      %jit3A_290 = arith.constant 0.000000e+00 : f32
      %broadcast_in_dim3A_291 = vector.broadcast %jit3A_290 : f32 to vector<16xf32>
      %select_n3A_292 = arith.select %ne3A_289, %broadcast_in_dim3A_291, %mul3A_288 : vector<16xi1>, vector<16xf32>
      %add3A_293 = arith.addf %add3A_283, %select_n3A_292 : vector<16xf32>
      %get3A_294 = arith.index_cast %add3A_234 : i32 to index
      %get3A_295 = arith.constant 84 : index
      %get3A_296 = tpu.vector_load %arg6[%get3A_294, %get3A_295] {strides = array<i32>} : memref<128x100xf32, #tpu.memory_space<vmem>>, vector<1x16xf32>,
      %get3A_297 = vector.shape_cast %get3A_296 : vector<1x16xf32> to vector<16xf32>
      %mul3A_298 = arith.mulf %get3A_297, %get3A_77 : vector<16xf32>
      %ne3A_299 = arith.cmpf one, %mul3A_298, %mul3A_298 : vector<16xf32>
      %jit3A_300 = arith.constant 0.000000e+00 : f32
      %broadcast_in_dim3A_301 = vector.broadcast %jit3A_300 : f32 to vector<16xf32>
      %select_n3A_302 = arith.select %ne3A_299, %broadcast_in_dim3A_301, %mul3A_298 : vector<16xi1>, vector<16xf32>
      %add3A_303 = arith.addf %add3A_293, %select_n3A_302 : vector<16xf32>
      %add3A_304 = arith.constant 3 : i32
      %add3A_305 = arith.addi %mul3A_94, %add3A_304 : i32
      %get3A_306 = arith.index_cast %add3A_305 : i32 to index
      %get3A_307 = arith.constant 0 : index
      %get3A_308 = tpu.vector_load %arg6[%get3A_306, %get3A_307] {strides = array<i32>} : memref<128x100xf32, #tpu.memory_space<vmem>>, vector<1x16xf32>,
      %get3A_309 = vector.shape_cast %get3A_308 : vector<1x16xf32> to vector<16xf32>
      %mul3A_310 = arith.mulf %get3A_309, %get3A_47 : vector<16xf32>
      %ne3A_311 = arith.cmpf one, %mul3A_310, %mul3A_310 : vector<16xf32>
      %jit3A_312 = arith.constant 0.000000e+00 : f32
      %broadcast_in_dim3A_313 = vector.broadcast %jit3A_312 : f32 to vector<16xf32>
      %select_n3A_314 = arith.select %ne3A_311, %broadcast_in_dim3A_313, %mul3A_310 : vector<16xi1>, vector<16xf32>
      %get3A_315 = arith.index_cast %add3A_305 : i32 to index
      %get3A_316 = arith.constant 16 : index
      %get3A_317 = tpu.vector_load %arg6[%get3A_315, %get3A_316] {strides = array<i32>} : memref<128x100xf32, #tpu.memory_space<vmem>>, vector<1x16xf32>,
      %get3A_318 = vector.shape_cast %get3A_317 : vector<1x16xf32> to vector<16xf32>
      %mul3A_319 = arith.mulf %get3A_318, %get3A_52 : vector<16xf32>
      %ne3A_320 = arith.cmpf one, %mul3A_319, %mul3A_319 : vector<16xf32>
      %jit3A_321 = arith.constant 0.000000e+00 : f32
      %broadcast_in_dim3A_322 = vector.broadcast %jit3A_321 : f32 to vector<16xf32>
      %select_n3A_323 = arith.select %ne3A_320, %broadcast_in_dim3A_322, %mul3A_319 : vector<16xi1>, vector<16xf32>
      %add3A_324 = arith.addf %select_n3A_314, %select_n3A_323 : vector<16xf32>
      %get3A_325 = arith.index_cast %add3A_305 : i32 to index
      %get3A_326 = arith.constant 32 : index
      %get3A_327 = tpu.vector_load %arg6[%get3A_325, %get3A_326] {strides = array<i32>} : memref<128x100xf32, #tpu.memory_space<vmem>>, vector<1x16xf32>,
      %get3A_328 = vector.shape_cast %get3A_327 : vector<1x16xf32> to vector<16xf32>
      %mul3A_329 = arith.mulf %get3A_328, %get3A_57 : vector<16xf32>
      %ne3A_330 = arith.cmpf one, %mul3A_329, %mul3A_329 : vector<16xf32>
      %jit3A_331 = arith.constant 0.000000e+00 : f32
      %broadcast_in_dim3A_332 = vector.broadcast %jit3A_331 : f32 to vector<16xf32>
      %select_n3A_333 = arith.select %ne3A_330, %broadcast_in_dim3A_332, %mul3A_329 : vector<16xi1>, vector<16xf32>
      %add3A_334 = arith.addf %add3A_324, %select_n3A_333 : vector<16xf32>
      %get3A_335 = arith.index_cast %add3A_305 : i32 to index
      %get3A_336 = arith.constant 48 : index
      %get3A_337 = tpu.vector_load %arg6[%get3A_335, %get3A_336] {strides = array<i32>} : memref<128x100xf32, #tpu.memory_space<vmem>>, vector<1x16xf32>,
      %get3A_338 = vector.shape_cast %get3A_337 : vector<1x16xf32> to vector<16xf32>
      %mul3A_339 = arith.mulf %get3A_338, %get3A_62 : vector<16xf32>
      %ne3A_340 = arith.cmpf one, %mul3A_339, %mul3A_339 : vector<16xf32>
      %jit3A_341 = arith.constant 0.000000e+00 : f32
      %broadcast_in_dim3A_342 = vector.broadcast %jit3A_341 : f32 to vector<16xf32>
      %select_n3A_343 = arith.select %ne3A_340, %broadcast_in_dim3A_342, %mul3A_339 : vector<16xi1>, vector<16xf32>
      %add3A_344 = arith.addf %add3A_334, %select_n3A_343 : vector<16xf32>
      %get3A_345 = arith.index_cast %add3A_305 : i32 to index
      %get3A_346 = arith.constant 64 : index
      %get3A_347 = tpu.vector_load %arg6[%get3A_345, %get3A_346] {strides = array<i32>} : memref<128x100xf32, #tpu.memory_space<vmem>>, vector<1x16xf32>,
      %get3A_348 = vector.shape_cast %get3A_347 : vector<1x16xf32> to vector<16xf32>
      %mul3A_349 = arith.mulf %get3A_348, %get3A_67 : vector<16xf32>
      %ne3A_350 = arith.cmpf one, %mul3A_349, %mul3A_349 : vector<16xf32>
      %jit3A_351 = arith.constant 0.000000e+00 : f32
      %broadcast_in_dim3A_352 = vector.broadcast %jit3A_351 : f32 to vector<16xf32>
      %select_n3A_353 = arith.select %ne3A_350, %broadcast_in_dim3A_352, %mul3A_349 : vector<16xi1>, vector<16xf32>
      %add3A_354 = arith.addf %add3A_344, %select_n3A_353 : vector<16xf32>
      %get3A_355 = arith.index_cast %add3A_305 : i32 to index
      %get3A_356 = arith.constant 80 : index
      %get3A_357 = tpu.vector_load %arg6[%get3A_355, %get3A_356] {strides = array<i32>} : memref<128x100xf32, #tpu.memory_space<vmem>>, vector<1x16xf32>,
      %get3A_358 = vector.shape_cast %get3A_357 : vector<1x16xf32> to vector<16xf32>
      %mul3A_359 = arith.mulf %get3A_358, %get3A_72 : vector<16xf32>
      %ne3A_360 = arith.cmpf one, %mul3A_359, %mul3A_359 : vector<16xf32>
      %jit3A_361 = arith.constant 0.000000e+00 : f32
      %broadcast_in_dim3A_362 = vector.broadcast %jit3A_361 : f32 to vector<16xf32>
      %select_n3A_363 = arith.select %ne3A_360, %broadcast_in_dim3A_362, %mul3A_359 : vector<16xi1>, vector<16xf32>
      %add3A_364 = arith.addf %add3A_354, %select_n3A_363 : vector<16xf32>
      %get3A_365 = arith.index_cast %add3A_305 : i32 to index
      %get3A_366 = arith.constant 84 : index
      %get3A_367 = tpu.vector_load %arg6[%get3A_365, %get3A_366] {strides = array<i32>} : memref<128x100xf32, #tpu.memory_space<vmem>>, vector<1x16xf32>,
      %get3A_368 = vector.shape_cast %get3A_367 : vector<1x16xf32> to vector<16xf32>
      %mul3A_369 = arith.mulf %get3A_368, %get3A_77 : vector<16xf32>
      %ne3A_370 = arith.cmpf one, %mul3A_369, %mul3A_369 : vector<16xf32>
      %jit3A_371 = arith.constant 0.000000e+00 : f32
      %broadcast_in_dim3A_372 = vector.broadcast %jit3A_371 : f32 to vector<16xf32>
      %select_n3A_373 = arith.select %ne3A_370, %broadcast_in_dim3A_372, %mul3A_369 : vector<16xi1>, vector<16xf32>
      %add3A_374 = arith.addf %add3A_364, %select_n3A_373 : vector<16xf32>
      %add3A_375 = arith.constant 4 : i32
      %add3A_376 = arith.addi %mul3A_94, %add3A_375 : i32
      %get3A_377 = arith.index_cast %add3A_376 : i32 to index
      %get3A_378 = arith.constant 0 : index
      %get3A_379 = tpu.vector_load %arg6[%get3A_377, %get3A_378] {strides = array<i32>} : memref<128x100xf32, #tpu.memory_space<vmem>>, vector<1x16xf32>,
      %get3A_380 = vector.shape_cast %get3A_379 : vector<1x16xf32> to vector<16xf32>
      %mul3A_381 = arith.mulf %get3A_380, %get3A_47 : vector<16xf32>
      %ne3A_382 = arith.cmpf one, %mul3A_381, %mul3A_381 : vector<16xf32>
      %jit3A_383 = arith.constant 0.000000e+00 : f32
      %broadcast_in_dim3A_384 = vector.broadcast %jit3A_383 : f32 to vector<16xf32>
      %select_n3A_385 = arith.select %ne3A_382, %broadcast_in_dim3A_384, %mul3A_381 : vector<16xi1>, vector<16xf32>
      %get3A_386 = arith.index_cast %add3A_376 : i32 to index
      %get3A_387 = arith.constant 16 : index
      %get3A_388 = tpu.vector_load %arg6[%get3A_386, %get3A_387] {strides = array<i32>} : memref<128x100xf32, #tpu.memory_space<vmem>>, vector<1x16xf32>,
      %get3A_389 = vector.shape_cast %get3A_388 : vector<1x16xf32> to vector<16xf32>
      %mul3A_390 = arith.mulf %get3A_389, %get3A_52 : vector<16xf32>
      %ne3A_391 = arith.cmpf one, %mul3A_390, %mul3A_390 : vector<16xf32>
      %jit3A_392 = arith.constant 0.000000e+00 : f32
      %broadcast_in_dim3A_393 = vector.broadcast %jit3A_392 : f32 to vector<16xf32>
      %select_n3A_394 = arith.select %ne3A_391, %broadcast_in_dim3A_393, %mul3A_390 : vector<16xi1>, vector<16xf32>
      %add3A_395 = arith.addf %select_n3A_385, %select_n3A_394 : vector<16xf32>
      %get3A_396 = arith.index_cast %add3A_376 : i32 to index
      %get3A_397 = arith.constant 32 : index
      %get3A_398 = tpu.vector_load %arg6[%get3A_396, %get3A_397] {strides = array<i32>} : memref<128x100xf32, #tpu.memory_space<vmem>>, vector<1x16xf32>,
      %get3A_399 = vector.shape_cast %get3A_398 : vector<1x16xf32> to vector<16xf32>
      %mul3A_400 = arith.mulf %get3A_399, %get3A_57 : vector<16xf32>
      %ne3A_401 = arith.cmpf one, %mul3A_400, %mul3A_400 : vector<16xf32>
      %jit3A_402 = arith.constant 0.000000e+00 : f32
      %broadcast_in_dim3A_403 = vector.broadcast %jit3A_402 : f32 to vector<16xf32>
      %select_n3A_404 = arith.select %ne3A_401, %broadcast_in_dim3A_403, %mul3A_400 : vector<16xi1>, vector<16xf32>
      %add3A_405 = arith.addf %add3A_395, %select_n3A_404 : vector<16xf32>
      %get3A_406 = arith.index_cast %add3A_376 : i32 to index
      %get3A_407 = arith.constant 48 : index
      %get3A_408 = tpu.vector_load %arg6[%get3A_406, %get3A_407] {strides = array<i32>} : memref<128x100xf32, #tpu.memory_space<vmem>>, vector<1x16xf32>,
      %get3A_409 = vector.shape_cast %get3A_408 : vector<1x16xf32> to vector<16xf32>
      %mul3A_410 = arith.mulf %get3A_409, %get3A_62 : vector<16xf32>
      %ne3A_411 = arith.cmpf one, %mul3A_410, %mul3A_410 : vector<16xf32>
      %jit3A_412 = arith.constant 0.000000e+00 : f32
      %broadcast_in_dim3A_413 = vector.broadcast %jit3A_412 : f32 to vector<16xf32>
      %select_n3A_414 = arith.select %ne3A_411, %broadcast_in_dim3A_413, %mul3A_410 : vector<16xi1>, vector<16xf32>
      %add3A_415 = arith.addf %add3A_405, %select_n3A_414 : vector<16xf32>
      %get3A_416 = arith.index_cast %add3A_376 : i32 to index
      %get3A_417 = arith.constant 64 : index
      %get3A_418 = tpu.vector_load %arg6[%get3A_416, %get3A_417] {strides = array<i32>} : memref<128x100xf32, #tpu.memory_space<vmem>>, vector<1x16xf32>,
      %get3A_419 = vector.shape_cast %get3A_418 : vector<1x16xf32> to vector<16xf32>
      %mul3A_420 = arith.mulf %get3A_419, %get3A_67 : vector<16xf32>
      %ne3A_421 = arith.cmpf one, %mul3A_420, %mul3A_420 : vector<16xf32>
      %jit3A_422 = arith.constant 0.000000e+00 : f32
      %broadcast_in_dim3A_423 = vector.broadcast %jit3A_422 : f32 to vector<16xf32>
      %select_n3A_424 = arith.select %ne3A_421, %broadcast_in_dim3A_423, %mul3A_420 : vector<16xi1>, vector<16xf32>
      %add3A_425 = arith.addf %add3A_415, %select_n3A_424 : vector<16xf32>
      %get3A_426 = arith.index_cast %add3A_376 : i32 to index
      %get3A_427 = arith.constant 80 : index
      %get3A_428 = tpu.vector_load %arg6[%get3A_426, %get3A_427] {strides = array<i32>} : memref<128x100xf32, #tpu.memory_space<vmem>>, vector<1x16xf32>,
      %get3A_429 = vector.shape_cast %get3A_428 : vector<1x16xf32> to vector<16xf32>
      %mul3A_430 = arith.mulf %get3A_429, %get3A_72 : vector<16xf32>
      %ne3A_431 = arith.cmpf one, %mul3A_430, %mul3A_430 : vector<16xf32>
      %jit3A_432 = arith.constant 0.000000e+00 : f32
      %broadcast_in_dim3A_433 = vector.broadcast %jit3A_432 : f32 to vector<16xf32>
      %select_n3A_434 = arith.select %ne3A_431, %broadcast_in_dim3A_433, %mul3A_430 : vector<16xi1>, vector<16xf32>
      %add3A_435 = arith.addf %add3A_425, %select_n3A_434 : vector<16xf32>
      %get3A_436 = arith.index_cast %add3A_376 : i32 to index
      %get3A_437 = arith.constant 84 : index
      %get3A_438 = tpu.vector_load %arg6[%get3A_436, %get3A_437] {strides = array<i32>} : memref<128x100xf32, #tpu.memory_space<vmem>>, vector<1x16xf32>,
      %get3A_439 = vector.shape_cast %get3A_438 : vector<1x16xf32> to vector<16xf32>
      %mul3A_440 = arith.mulf %get3A_439, %get3A_77 : vector<16xf32>
      %ne3A_441 = arith.cmpf one, %mul3A_440, %mul3A_440 : vector<16xf32>
      %jit3A_442 = arith.constant 0.000000e+00 : f32
      %broadcast_in_dim3A_443 = vector.broadcast %jit3A_442 : f32 to vector<16xf32>
      %select_n3A_444 = arith.select %ne3A_441, %broadcast_in_dim3A_443, %mul3A_440 : vector<16xi1>, vector<16xf32>
      %add3A_445 = arith.addf %add3A_435, %select_n3A_444 : vector<16xf32>
      %add3A_446 = arith.constant 5 : i32
      %add3A_447 = arith.addi %mul3A_94, %add3A_446 : i32
      %get3A_448 = arith.index_cast %add3A_447 : i32 to index
      %get3A_449 = arith.constant 0 : index
      %get3A_450 = tpu.vector_load %arg6[%get3A_448, %get3A_449] {strides = array<i32>} : memref<128x100xf32, #tpu.memory_space<vmem>>, vector<1x16xf32>,
      %get3A_451 = vector.shape_cast %get3A_450 : vector<1x16xf32> to vector<16xf32>
      %mul3A_452 = arith.mulf %get3A_451, %get3A_47 : vector<16xf32>
      %ne3A_453 = arith.cmpf one, %mul3A_452, %mul3A_452 : vector<16xf32>
      %jit3A_454 = arith.constant 0.000000e+00 : f32
      %broadcast_in_dim3A_455 = vector.broadcast %jit3A_454 : f32 to vector<16xf32>
      %select_n3A_456 = arith.select %ne3A_453, %broadcast_in_dim3A_455, %mul3A_452 : vector<16xi1>, vector<16xf32>
      %get3A_457 = arith.index_cast %add3A_447 : i32 to index
      %get3A_458 = arith.constant 16 : index
      %get3A_459 = tpu.vector_load %arg6[%get3A_457, %get3A_458] {strides = array<i32>} : memref<128x100xf32, #tpu.memory_space<vmem>>, vector<1x16xf32>,
      %get3A_460 = vector.shape_cast %get3A_459 : vector<1x16xf32> to vector<16xf32>
      %mul3A_461 = arith.mulf %get3A_460, %get3A_52 : vector<16xf32>
      %ne3A_462 = arith.cmpf one, %mul3A_461, %mul3A_461 : vector<16xf32>
      %jit3A_463 = arith.constant 0.000000e+00 : f32
      %broadcast_in_dim3A_464 = vector.broadcast %jit3A_463 : f32 to vector<16xf32>
      %select_n3A_465 = arith.select %ne3A_462, %broadcast_in_dim3A_464, %mul3A_461 : vector<16xi1>, vector<16xf32>
      %add3A_466 = arith.addf %select_n3A_456, %select_n3A_465 : vector<16xf32>
      %get3A_467 = arith.index_cast %add3A_447 : i32 to index
      %get3A_468 = arith.constant 32 : index
      %get3A_469 = tpu.vector_load %arg6[%get3A_467, %get3A_468] {strides = array<i32>} : memref<128x100xf32, #tpu.memory_space<vmem>>, vector<1x16xf32>,
      %get3A_470 = vector.shape_cast %get3A_469 : vector<1x16xf32> to vector<16xf32>
      %mul3A_471 = arith.mulf %get3A_470, %get3A_57 : vector<16xf32>
      %ne3A_472 = arith.cmpf one, %mul3A_471, %mul3A_471 : vector<16xf32>
      %jit3A_473 = arith.constant 0.000000e+00 : f32
      %broadcast_in_dim3A_474 = vector.broadcast %jit3A_473 : f32 to vector<16xf32>
      %select_n3A_475 = arith.select %ne3A_472, %broadcast_in_dim3A_474, %mul3A_471 : vector<16xi1>, vector<16xf32>
      %add3A_476 = arith.addf %add3A_466, %select_n3A_475 : vector<16xf32>
      %get3A_477 = arith.index_cast %add3A_447 : i32 to index
      %get3A_478 = arith.constant 48 : index
      %get3A_479 = tpu.vector_load %arg6[%get3A_477, %get3A_478] {strides = array<i32>} : memref<128x100xf32, #tpu.memory_space<vmem>>, vector<1x16xf32>,
      %get3A_480 = vector.shape_cast %get3A_479 : vector<1x16xf32> to vector<16xf32>
      %mul3A_481 = arith.mulf %get3A_480, %get3A_62 : vector<16xf32>
      %ne3A_482 = arith.cmpf one, %mul3A_481, %mul3A_481 : vector<16xf32>
      %jit3A_483 = arith.constant 0.000000e+00 : f32
      %broadcast_in_dim3A_484 = vector.broadcast %jit3A_483 : f32 to vector<16xf32>
      %select_n3A_485 = arith.select %ne3A_482, %broadcast_in_dim3A_484, %mul3A_481 : vector<16xi1>, vector<16xf32>
      %add3A_486 = arith.addf %add3A_476, %select_n3A_485 : vector<16xf32>
      %get3A_487 = arith.index_cast %add3A_447 : i32 to index
      %get3A_488 = arith.constant 64 : index
      %get3A_489 = tpu.vector_load %arg6[%get3A_487, %get3A_488] {strides = array<i32>} : memref<128x100xf32, #tpu.memory_space<vmem>>, vector<1x16xf32>,
      %get3A_490 = vector.shape_cast %get3A_489 : vector<1x16xf32> to vector<16xf32>
      %mul3A_491 = arith.mulf %get3A_490, %get3A_67 : vector<16xf32>
      %ne3A_492 = arith.cmpf one, %mul3A_491, %mul3A_491 : vector<16xf32>
      %jit3A_493 = arith.constant 0.000000e+00 : f32
      %broadcast_in_dim3A_494 = vector.broadcast %jit3A_493 : f32 to vector<16xf32>
      %select_n3A_495 = arith.select %ne3A_492, %broadcast_in_dim3A_494, %mul3A_491 : vector<16xi1>, vector<16xf32>
      %add3A_496 = arith.addf %add3A_486, %select_n3A_495 : vector<16xf32>
      %get3A_497 = arith.index_cast %add3A_447 : i32 to index
      %get3A_498 = arith.constant 80 : index
      %get3A_499 = tpu.vector_load %arg6[%get3A_497, %get3A_498] {strides = array<i32>} : memref<128x100xf32, #tpu.memory_space<vmem>>, vector<1x16xf32>,
      %get3A_500 = vector.shape_cast %get3A_499 : vector<1x16xf32> to vector<16xf32>
      %mul3A_501 = arith.mulf %get3A_500, %get3A_72 : vector<16xf32>
      %ne3A_502 = arith.cmpf one, %mul3A_501, %mul3A_501 : vector<16xf32>
      %jit3A_503 = arith.constant 0.000000e+00 : f32
      %broadcast_in_dim3A_504 = vector.broadcast %jit3A_503 : f32 to vector<16xf32>
      %select_n3A_505 = arith.select %ne3A_502, %broadcast_in_dim3A_504, %mul3A_501 : vector<16xi1>, vector<16xf32>
      %add3A_506 = arith.addf %add3A_496, %select_n3A_505 : vector<16xf32>
      %get3A_507 = arith.index_cast %add3A_447 : i32 to index
      %get3A_508 = arith.constant 84 : index
      %get3A_509 = tpu.vector_load %arg6[%get3A_507, %get3A_508] {strides = array<i32>} : memref<128x100xf32, #tpu.memory_space<vmem>>, vector<1x16xf32>,
      %get3A_510 = vector.shape_cast %get3A_509 : vector<1x16xf32> to vector<16xf32>
      %mul3A_511 = arith.mulf %get3A_510, %get3A_77 : vector<16xf32>
      %ne3A_512 = arith.cmpf one, %mul3A_511, %mul3A_511 : vector<16xf32>
      %jit3A_513 = arith.constant 0.000000e+00 : f32
      %broadcast_in_dim3A_514 = vector.broadcast %jit3A_513 : f32 to vector<16xf32>
      %select_n3A_515 = arith.select %ne3A_512, %broadcast_in_dim3A_514, %mul3A_511 : vector<16xi1>, vector<16xf32>
      %add3A_516 = arith.addf %add3A_506, %select_n3A_515 : vector<16xf32>
      %add3A_517 = arith.constant 6 : i32
      %add3A_518 = arith.addi %mul3A_94, %add3A_517 : i32
      %get3A_519 = arith.index_cast %add3A_518 : i32 to index
      %get3A_520 = arith.constant 0 : index
      %get3A_521 = tpu.vector_load %arg6[%get3A_519, %get3A_520] {strides = array<i32>} : memref<128x100xf32, #tpu.memory_space<vmem>>, vector<1x16xf32>,
      %get3A_522 = vector.shape_cast %get3A_521 : vector<1x16xf32> to vector<16xf32>
      %mul3A_523 = arith.mulf %get3A_522, %get3A_47 : vector<16xf32>
      %ne3A_524 = arith.cmpf one, %mul3A_523, %mul3A_523 : vector<16xf32>
      %jit3A_525 = arith.constant 0.000000e+00 : f32
      %broadcast_in_dim3A_526 = vector.broadcast %jit3A_525 : f32 to vector<16xf32>
      %select_n3A_527 = arith.select %ne3A_524, %broadcast_in_dim3A_526, %mul3A_523 : vector<16xi1>, vector<16xf32>
      %get3A_528 = arith.index_cast %add3A_518 : i32 to index
      %get3A_529 = arith.constant 16 : index
      %get3A_530 = tpu.vector_load %arg6[%get3A_528, %get3A_529] {strides = array<i32>} : memref<128x100xf32, #tpu.memory_space<vmem>>, vector<1x16xf32>,
      %get3A_531 = vector.shape_cast %get3A_530 : vector<1x16xf32> to vector<16xf32>
      %mul3A_532 = arith.mulf %get3A_531, %get3A_52 : vector<16xf32>
      %ne3A_533 = arith.cmpf one, %mul3A_532, %mul3A_532 : vector<16xf32>
      %jit3A_534 = arith.constant 0.000000e+00 : f32
      %broadcast_in_dim3A_535 = vector.broadcast %jit3A_534 : f32 to vector<16xf32>
      %select_n3A_536 = arith.select %ne3A_533, %broadcast_in_dim3A_535, %mul3A_532 : vector<16xi1>, vector<16xf32>
      %add3A_537 = arith.addf %select_n3A_527, %select_n3A_536 : vector<16xf32>
      %get3A_538 = arith.index_cast %add3A_518 : i32 to index
      %get3A_539 = arith.constant 32 : index
      %get3A_540 = tpu.vector_load %arg6[%get3A_538, %get3A_539] {strides = array<i32>} : memref<128x100xf32, #tpu.memory_space<vmem>>, vector<1x16xf32>,
      %get3A_541 = vector.shape_cast %get3A_540 : vector<1x16xf32> to vector<16xf32>
      %mul3A_542 = arith.mulf %get3A_541, %get3A_57 : vector<16xf32>
      %ne3A_543 = arith.cmpf one, %mul3A_542, %mul3A_542 : vector<16xf32>
      %jit3A_544 = arith.constant 0.000000e+00 : f32
      %broadcast_in_dim3A_545 = vector.broadcast %jit3A_544 : f32 to vector<16xf32>
      %select_n3A_546 = arith.select %ne3A_543, %broadcast_in_dim3A_545, %mul3A_542 : vector<16xi1>, vector<16xf32>
      %add3A_547 = arith.addf %add3A_537, %select_n3A_546 : vector<16xf32>
      %get3A_548 = arith.index_cast %add3A_518 : i32 to index
      %get3A_549 = arith.constant 48 : index
      %get3A_550 = tpu.vector_load %arg6[%get3A_548, %get3A_549] {strides = array<i32>} : memref<128x100xf32, #tpu.memory_space<vmem>>, vector<1x16xf32>,
      %get3A_551 = vector.shape_cast %get3A_550 : vector<1x16xf32> to vector<16xf32>
      %mul3A_552 = arith.mulf %get3A_551, %get3A_62 : vector<16xf32>
      %ne3A_553 = arith.cmpf one, %mul3A_552, %mul3A_552 : vector<16xf32>
      %jit3A_554 = arith.constant 0.000000e+00 : f32
      %broadcast_in_dim3A_555 = vector.broadcast %jit3A_554 : f32 to vector<16xf32>
      %select_n3A_556 = arith.select %ne3A_553, %broadcast_in_dim3A_555, %mul3A_552 : vector<16xi1>, vector<16xf32>
      %add3A_557 = arith.addf %add3A_547, %select_n3A_556 : vector<16xf32>
      %get3A_558 = arith.index_cast %add3A_518 : i32 to index
      %get3A_559 = arith.constant 64 : index
      %get3A_560 = tpu.vector_load %arg6[%get3A_558, %get3A_559] {strides = array<i32>} : memref<128x100xf32, #tpu.memory_space<vmem>>, vector<1x16xf32>,
      %get3A_561 = vector.shape_cast %get3A_560 : vector<1x16xf32> to vector<16xf32>
      %mul3A_562 = arith.mulf %get3A_561, %get3A_67 : vector<16xf32>
      %ne3A_563 = arith.cmpf one, %mul3A_562, %mul3A_562 : vector<16xf32>
      %jit3A_564 = arith.constant 0.000000e+00 : f32
      %broadcast_in_dim3A_565 = vector.broadcast %jit3A_564 : f32 to vector<16xf32>
      %select_n3A_566 = arith.select %ne3A_563, %broadcast_in_dim3A_565, %mul3A_562 : vector<16xi1>, vector<16xf32>
      %add3A_567 = arith.addf %add3A_557, %select_n3A_566 : vector<16xf32>
      %get3A_568 = arith.index_cast %add3A_518 : i32 to index
      %get3A_569 = arith.constant 80 : index
      %get3A_570 = tpu.vector_load %arg6[%get3A_568, %get3A_569] {strides = array<i32>} : memref<128x100xf32, #tpu.memory_space<vmem>>, vector<1x16xf32>,
      %get3A_571 = vector.shape_cast %get3A_570 : vector<1x16xf32> to vector<16xf32>
      %mul3A_572 = arith.mulf %get3A_571, %get3A_72 : vector<16xf32>
      %ne3A_573 = arith.cmpf one, %mul3A_572, %mul3A_572 : vector<16xf32>
      %jit3A_574 = arith.constant 0.000000e+00 : f32
      %broadcast_in_dim3A_575 = vector.broadcast %jit3A_574 : f32 to vector<16xf32>
      %select_n3A_576 = arith.select %ne3A_573, %broadcast_in_dim3A_575, %mul3A_572 : vector<16xi1>, vector<16xf32>
      %add3A_577 = arith.addf %add3A_567, %select_n3A_576 : vector<16xf32>
      %get3A_578 = arith.index_cast %add3A_518 : i32 to index
      %get3A_579 = arith.constant 84 : index
      %get3A_580 = tpu.vector_load %arg6[%get3A_578, %get3A_579] {strides = array<i32>} : memref<128x100xf32, #tpu.memory_space<vmem>>, vector<1x16xf32>,
      %get3A_581 = vector.shape_cast %get3A_580 : vector<1x16xf32> to vector<16xf32>
      %mul3A_582 = arith.mulf %get3A_581, %get3A_77 : vector<16xf32>
      %ne3A_583 = arith.cmpf one, %mul3A_582, %mul3A_582 : vector<16xf32>
      %jit3A_584 = arith.constant 0.000000e+00 : f32
      %broadcast_in_dim3A_585 = vector.broadcast %jit3A_584 : f32 to vector<16xf32>
      %select_n3A_586 = arith.select %ne3A_583, %broadcast_in_dim3A_585, %mul3A_582 : vector<16xi1>, vector<16xf32>
      %add3A_587 = arith.addf %add3A_577, %select_n3A_586 : vector<16xf32>
      %add3A_588 = arith.constant 7 : i32
      %add3A_589 = arith.addi %mul3A_94, %add3A_588 : i32
      %get3A_590 = arith.index_cast %add3A_589 : i32 to index
      %get3A_591 = arith.constant 0 : index
      %get3A_592 = tpu.vector_load %arg6[%get3A_590, %get3A_591] {strides = array<i32>} : memref<128x100xf32, #tpu.memory_space<vmem>>, vector<1x16xf32>,
      %get3A_593 = vector.shape_cast %get3A_592 : vector<1x16xf32> to vector<16xf32>
      %mul3A_594 = arith.mulf %get3A_593, %get3A_47 : vector<16xf32>
      %ne3A_595 = arith.cmpf one, %mul3A_594, %mul3A_594 : vector<16xf32>
      %jit3A_596 = arith.constant 0.000000e+00 : f32
      %broadcast_in_dim3A_597 = vector.broadcast %jit3A_596 : f32 to vector<16xf32>
      %select_n3A_598 = arith.select %ne3A_595, %broadcast_in_dim3A_597, %mul3A_594 : vector<16xi1>, vector<16xf32>
      %get3A_599 = arith.index_cast %add3A_589 : i32 to index
      %get3A_600 = arith.constant 16 : index
      %get3A_601 = tpu.vector_load %arg6[%get3A_599, %get3A_600] {strides = array<i32>} : memref<128x100xf32, #tpu.memory_space<vmem>>, vector<1x16xf32>,
      %get3A_602 = vector.shape_cast %get3A_601 : vector<1x16xf32> to vector<16xf32>
      %mul3A_603 = arith.mulf %get3A_602, %get3A_52 : vector<16xf32>
      %ne3A_604 = arith.cmpf one, %mul3A_603, %mul3A_603 : vector<16xf32>
      %jit3A_605 = arith.constant 0.000000e+00 : f32
      %broadcast_in_dim3A_606 = vector.broadcast %jit3A_605 : f32 to vector<16xf32>
      %select_n3A_607 = arith.select %ne3A_604, %broadcast_in_dim3A_606, %mul3A_603 : vector<16xi1>, vector<16xf32>
      %add3A_608 = arith.addf %select_n3A_598, %select_n3A_607 : vector<16xf32>
      %get3A_609 = arith.index_cast %add3A_589 : i32 to index
      %get3A_610 = arith.constant 32 : index
      %get3A_611 = tpu.vector_load %arg6[%get3A_609, %get3A_610] {strides = array<i32>} : memref<128x100xf32, #tpu.memory_space<vmem>>, vector<1x16xf32>,
      %get3A_612 = vector.shape_cast %get3A_611 : vector<1x16xf32> to vector<16xf32>
      %mul3A_613 = arith.mulf %get3A_612, %get3A_57 : vector<16xf32>
      %ne3A_614 = arith.cmpf one, %mul3A_613, %mul3A_613 : vector<16xf32>
      %jit3A_615 = arith.constant 0.000000e+00 : f32
      %broadcast_in_dim3A_616 = vector.broadcast %jit3A_615 : f32 to vector<16xf32>
      %select_n3A_617 = arith.select %ne3A_614, %broadcast_in_dim3A_616, %mul3A_613 : vector<16xi1>, vector<16xf32>
      %add3A_618 = arith.addf %add3A_608, %select_n3A_617 : vector<16xf32>
      %get3A_619 = arith.index_cast %add3A_589 : i32 to index
      %get3A_620 = arith.constant 48 : index
      %get3A_621 = tpu.vector_load %arg6[%get3A_619, %get3A_620] {strides = array<i32>} : memref<128x100xf32, #tpu.memory_space<vmem>>, vector<1x16xf32>,
      %get3A_622 = vector.shape_cast %get3A_621 : vector<1x16xf32> to vector<16xf32>
      %mul3A_623 = arith.mulf %get3A_622, %get3A_62 : vector<16xf32>
      %ne3A_624 = arith.cmpf one, %mul3A_623, %mul3A_623 : vector<16xf32>
      %jit3A_625 = arith.constant 0.000000e+00 : f32
      %broadcast_in_dim3A_626 = vector.broadcast %jit3A_625 : f32 to vector<16xf32>
      %select_n3A_627 = arith.select %ne3A_624, %broadcast_in_dim3A_626, %mul3A_623 : vector<16xi1>, vector<16xf32>
      %add3A_628 = arith.addf %add3A_618, %select_n3A_627 : vector<16xf32>
      %get3A_629 = arith.index_cast %add3A_589 : i32 to index
      %get3A_630 = arith.constant 64 : index
      %get3A_631 = tpu.vector_load %arg6[%get3A_629, %get3A_630] {strides = array<i32>} : memref<128x100xf32, #tpu.memory_space<vmem>>, vector<1x16xf32>,
      %get3A_632 = vector.shape_cast %get3A_631 : vector<1x16xf32> to vector<16xf32>
      %mul3A_633 = arith.mulf %get3A_632, %get3A_67 : vector<16xf32>
      %ne3A_634 = arith.cmpf one, %mul3A_633, %mul3A_633 : vector<16xf32>
      %jit3A_635 = arith.constant 0.000000e+00 : f32
      %broadcast_in_dim3A_636 = vector.broadcast %jit3A_635 : f32 to vector<16xf32>
      %select_n3A_637 = arith.select %ne3A_634, %broadcast_in_dim3A_636, %mul3A_633 : vector<16xi1>, vector<16xf32>
      %add3A_638 = arith.addf %add3A_628, %select_n3A_637 : vector<16xf32>
      %get3A_639 = arith.index_cast %add3A_589 : i32 to index
      %get3A_640 = arith.constant 80 : index
      %get3A_641 = tpu.vector_load %arg6[%get3A_639, %get3A_640] {strides = array<i32>} : memref<128x100xf32, #tpu.memory_space<vmem>>, vector<1x16xf32>,
      %get3A_642 = vector.shape_cast %get3A_641 : vector<1x16xf32> to vector<16xf32>
      %mul3A_643 = arith.mulf %get3A_642, %get3A_72 : vector<16xf32>
      %ne3A_644 = arith.cmpf one, %mul3A_643, %mul3A_643 : vector<16xf32>
      %jit3A_645 = arith.constant 0.000000e+00 : f32
      %broadcast_in_dim3A_646 = vector.broadcast %jit3A_645 : f32 to vector<16xf32>
      %select_n3A_647 = arith.select %ne3A_644, %broadcast_in_dim3A_646, %mul3A_643 : vector<16xi1>, vector<16xf32>
      %add3A_648 = arith.addf %add3A_638, %select_n3A_647 : vector<16xf32>
      %get3A_649 = arith.index_cast %add3A_589 : i32 to index
      %get3A_650 = arith.constant 84 : index
      %get3A_651 = tpu.vector_load %arg6[%get3A_649, %get3A_650] {strides = array<i32>} : memref<128x100xf32, #tpu.memory_space<vmem>>, vector<1x16xf32>,
      %get3A_652 = vector.shape_cast %get3A_651 : vector<1x16xf32> to vector<16xf32>
      %mul3A_653 = arith.mulf %get3A_652, %get3A_77 : vector<16xf32>
      %ne3A_654 = arith.cmpf one, %mul3A_653, %mul3A_653 : vector<16xf32>
      %jit3A_655 = arith.constant 0.000000e+00 : f32
      %broadcast_in_dim3A_656 = vector.broadcast %jit3A_655 : f32 to vector<16xf32>
      %select_n3A_657 = arith.select %ne3A_654, %broadcast_in_dim3A_656, %mul3A_653 : vector<16xi1>, vector<16xf32>
      %add3A_658 = arith.addf %add3A_648, %select_n3A_657 : vector<16xf32>
      %add3A_659 = arith.constant 8 : i32
      %add3A_660 = arith.addi %mul3A_94, %add3A_659 : i32
      %get3A_661 = arith.index_cast %add3A_660 : i32 to index
      %get3A_662 = arith.constant 0 : index
      %get3A_663 = tpu.vector_load %arg6[%get3A_661, %get3A_662] {strides = array<i32>} : memref<128x100xf32, #tpu.memory_space<vmem>>, vector<1x16xf32>,
      %get3A_664 = vector.shape_cast %get3A_663 : vector<1x16xf32> to vector<16xf32>
      %mul3A_665 = arith.mulf %get3A_664, %get3A_47 : vector<16xf32>
      %ne3A_666 = arith.cmpf one, %mul3A_665, %mul3A_665 : vector<16xf32>
      %jit3A_667 = arith.constant 0.000000e+00 : f32
      %broadcast_in_dim3A_668 = vector.broadcast %jit3A_667 : f32 to vector<16xf32>
      %select_n3A_669 = arith.select %ne3A_666, %broadcast_in_dim3A_668, %mul3A_665 : vector<16xi1>, vector<16xf32>
      %get3A_670 = arith.index_cast %add3A_660 : i32 to index
      %get3A_671 = arith.constant 16 : index
      %get3A_672 = tpu.vector_load %arg6[%get3A_670, %get3A_671] {strides = array<i32>} : memref<128x100xf32, #tpu.memory_space<vmem>>, vector<1x16xf32>,
      %get3A_673 = vector.shape_cast %get3A_672 : vector<1x16xf32> to vector<16xf32>
      %mul3A_674 = arith.mulf %get3A_673, %get3A_52 : vector<16xf32>
      %ne3A_675 = arith.cmpf one, %mul3A_674, %mul3A_674 : vector<16xf32>
      %jit3A_676 = arith.constant 0.000000e+00 : f32
      %broadcast_in_dim3A_677 = vector.broadcast %jit3A_676 : f32 to vector<16xf32>
      %select_n3A_678 = arith.select %ne3A_675, %broadcast_in_dim3A_677, %mul3A_674 : vector<16xi1>, vector<16xf32>
      %add3A_679 = arith.addf %select_n3A_669, %select_n3A_678 : vector<16xf32>
      %get3A_680 = arith.index_cast %add3A_660 : i32 to index
      %get3A_681 = arith.constant 32 : index
      %get3A_682 = tpu.vector_load %arg6[%get3A_680, %get3A_681] {strides = array<i32>} : memref<128x100xf32, #tpu.memory_space<vmem>>, vector<1x16xf32>,
      %get3A_683 = vector.shape_cast %get3A_682 : vector<1x16xf32> to vector<16xf32>
      %mul3A_684 = arith.mulf %get3A_683, %get3A_57 : vector<16xf32>
      %ne3A_685 = arith.cmpf one, %mul3A_684, %mul3A_684 : vector<16xf32>
      %jit3A_686 = arith.constant 0.000000e+00 : f32
      %broadcast_in_dim3A_687 = vector.broadcast %jit3A_686 : f32 to vector<16xf32>
      %select_n3A_688 = arith.select %ne3A_685, %broadcast_in_dim3A_687, %mul3A_684 : vector<16xi1>, vector<16xf32>
      %add3A_689 = arith.addf %add3A_679, %select_n3A_688 : vector<16xf32>
      %get3A_690 = arith.index_cast %add3A_660 : i32 to index
      %get3A_691 = arith.constant 48 : index
      %get3A_692 = tpu.vector_load %arg6[%get3A_690, %get3A_691] {strides = array<i32>} : memref<128x100xf32, #tpu.memory_space<vmem>>, vector<1x16xf32>,
      %get3A_693 = vector.shape_cast %get3A_692 : vector<1x16xf32> to vector<16xf32>
      %mul3A_694 = arith.mulf %get3A_693, %get3A_62 : vector<16xf32>
      %ne3A_695 = arith.cmpf one, %mul3A_694, %mul3A_694 : vector<16xf32>
      %jit3A_696 = arith.constant 0.000000e+00 : f32
      %broadcast_in_dim3A_697 = vector.broadcast %jit3A_696 : f32 to vector<16xf32>
      %select_n3A_698 = arith.select %ne3A_695, %broadcast_in_dim3A_697, %mul3A_694 : vector<16xi1>, vector<16xf32>
      %add3A_699 = arith.addf %add3A_689, %select_n3A_698 : vector<16xf32>
      %get3A_700 = arith.index_cast %add3A_660 : i32 to index
      %get3A_701 = arith.constant 64 : index
      %get3A_702 = tpu.vector_load %arg6[%get3A_700, %get3A_701] {strides = array<i32>} : memref<128x100xf32, #tpu.memory_space<vmem>>, vector<1x16xf32>,
      %get3A_703 = vector.shape_cast %get3A_702 : vector<1x16xf32> to vector<16xf32>
      %mul3A_704 = arith.mulf %get3A_703, %get3A_67 : vector<16xf32>
      %ne3A_705 = arith.cmpf one, %mul3A_704, %mul3A_704 : vector<16xf32>
      %jit3A_706 = arith.constant 0.000000e+00 : f32
      %broadcast_in_dim3A_707 = vector.broadcast %jit3A_706 : f32 to vector<16xf32>
      %select_n3A_708 = arith.select %ne3A_705, %broadcast_in_dim3A_707, %mul3A_704 : vector<16xi1>, vector<16xf32>
      %add3A_709 = arith.addf %add3A_699, %select_n3A_708 : vector<16xf32>
      %get3A_710 = arith.index_cast %add3A_660 : i32 to index
      %get3A_711 = arith.constant 80 : index
      %get3A_712 = tpu.vector_load %arg6[%get3A_710, %get3A_711] {strides = array<i32>} : memref<128x100xf32, #tpu.memory_space<vmem>>, vector<1x16xf32>,
      %get3A_713 = vector.shape_cast %get3A_712 : vector<1x16xf32> to vector<16xf32>
      %mul3A_714 = arith.mulf %get3A_713, %get3A_72 : vector<16xf32>
      %ne3A_715 = arith.cmpf one, %mul3A_714, %mul3A_714 : vector<16xf32>
      %jit3A_716 = arith.constant 0.000000e+00 : f32
      %broadcast_in_dim3A_717 = vector.broadcast %jit3A_716 : f32 to vector<16xf32>
      %select_n3A_718 = arith.select %ne3A_715, %broadcast_in_dim3A_717, %mul3A_714 : vector<16xi1>, vector<16xf32>
      %add3A_719 = arith.addf %add3A_709, %select_n3A_718 : vector<16xf32>
      %get3A_720 = arith.index_cast %add3A_660 : i32 to index
      %get3A_721 = arith.constant 84 : index
      %get3A_722 = tpu.vector_load %arg6[%get3A_720, %get3A_721] {strides = array<i32>} : memref<128x100xf32, #tpu.memory_space<vmem>>, vector<1x16xf32>,
      %get3A_723 = vector.shape_cast %get3A_722 : vector<1x16xf32> to vector<16xf32>
      %mul3A_724 = arith.mulf %get3A_723, %get3A_77 : vector<16xf32>
      %ne3A_725 = arith.cmpf one, %mul3A_724, %mul3A_724 : vector<16xf32>
      %jit3A_726 = arith.constant 0.000000e+00 : f32
      %broadcast_in_dim3A_727 = vector.broadcast %jit3A_726 : f32 to vector<16xf32>
      %select_n3A_728 = arith.select %ne3A_725, %broadcast_in_dim3A_727, %mul3A_724 : vector<16xi1>, vector<16xf32>
      %add3A_729 = arith.addf %add3A_719, %select_n3A_728 : vector<16xf32>
      %add3A_730 = arith.constant 9 : i32
      %add3A_731 = arith.addi %mul3A_94, %add3A_730 : i32
      %get3A_732 = arith.index_cast %add3A_731 : i32 to index
      %get3A_733 = arith.constant 0 : index
      %get3A_734 = tpu.vector_load %arg6[%get3A_732, %get3A_733] {strides = array<i32>} : memref<128x100xf32, #tpu.memory_space<vmem>>, vector<1x16xf32>,
      %get3A_735 = vector.shape_cast %get3A_734 : vector<1x16xf32> to vector<16xf32>
      %mul3A_736 = arith.mulf %get3A_735, %get3A_47 : vector<16xf32>
      %ne3A_737 = arith.cmpf one, %mul3A_736, %mul3A_736 : vector<16xf32>
      %jit3A_738 = arith.constant 0.000000e+00 : f32
      %broadcast_in_dim3A_739 = vector.broadcast %jit3A_738 : f32 to vector<16xf32>
      %select_n3A_740 = arith.select %ne3A_737, %broadcast_in_dim3A_739, %mul3A_736 : vector<16xi1>, vector<16xf32>
      %get3A_741 = arith.index_cast %add3A_731 : i32 to index
      %get3A_742 = arith.constant 16 : index
      %get3A_743 = tpu.vector_load %arg6[%get3A_741, %get3A_742] {strides = array<i32>} : memref<128x100xf32, #tpu.memory_space<vmem>>, vector<1x16xf32>,
      %get3A_744 = vector.shape_cast %get3A_743 : vector<1x16xf32> to vector<16xf32>
      %mul3A_745 = arith.mulf %get3A_744, %get3A_52 : vector<16xf32>
      %ne3A_746 = arith.cmpf one, %mul3A_745, %mul3A_745 : vector<16xf32>
      %jit3A_747 = arith.constant 0.000000e+00 : f32
      %broadcast_in_dim3A_748 = vector.broadcast %jit3A_747 : f32 to vector<16xf32>
      %select_n3A_749 = arith.select %ne3A_746, %broadcast_in_dim3A_748, %mul3A_745 : vector<16xi1>, vector<16xf32>
      %add3A_750 = arith.addf %select_n3A_740, %select_n3A_749 : vector<16xf32>
      %get3A_751 = arith.index_cast %add3A_731 : i32 to index
      %get3A_752 = arith.constant 32 : index
      %get3A_753 = tpu.vector_load %arg6[%get3A_751, %get3A_752] {strides = array<i32>} : memref<128x100xf32, #tpu.memory_space<vmem>>, vector<1x16xf32>,
      %get3A_754 = vector.shape_cast %get3A_753 : vector<1x16xf32> to vector<16xf32>
      %mul3A_755 = arith.mulf %get3A_754, %get3A_57 : vector<16xf32>
      %ne3A_756 = arith.cmpf one, %mul3A_755, %mul3A_755 : vector<16xf32>
      %jit3A_757 = arith.constant 0.000000e+00 : f32
      %broadcast_in_dim3A_758 = vector.broadcast %jit3A_757 : f32 to vector<16xf32>
      %select_n3A_759 = arith.select %ne3A_756, %broadcast_in_dim3A_758, %mul3A_755 : vector<16xi1>, vector<16xf32>
      %add3A_760 = arith.addf %add3A_750, %select_n3A_759 : vector<16xf32>
      %get3A_761 = arith.index_cast %add3A_731 : i32 to index
      %get3A_762 = arith.constant 48 : index
      %get3A_763 = tpu.vector_load %arg6[%get3A_761, %get3A_762] {strides = array<i32>} : memref<128x100xf32, #tpu.memory_space<vmem>>, vector<1x16xf32>,
      %get3A_764 = vector.shape_cast %get3A_763 : vector<1x16xf32> to vector<16xf32>
      %mul3A_765 = arith.mulf %get3A_764, %get3A_62 : vector<16xf32>
      %ne3A_766 = arith.cmpf one, %mul3A_765, %mul3A_765 : vector<16xf32>
      %jit3A_767 = arith.constant 0.000000e+00 : f32
      %broadcast_in_dim3A_768 = vector.broadcast %jit3A_767 : f32 to vector<16xf32>
      %select_n3A_769 = arith.select %ne3A_766, %broadcast_in_dim3A_768, %mul3A_765 : vector<16xi1>, vector<16xf32>
      %add3A_770 = arith.addf %add3A_760, %select_n3A_769 : vector<16xf32>
      %get3A_771 = arith.index_cast %add3A_731 : i32 to index
      %get3A_772 = arith.constant 64 : index
      %get3A_773 = tpu.vector_load %arg6[%get3A_771, %get3A_772] {strides = array<i32>} : memref<128x100xf32, #tpu.memory_space<vmem>>, vector<1x16xf32>,
      %get3A_774 = vector.shape_cast %get3A_773 : vector<1x16xf32> to vector<16xf32>
      %mul3A_775 = arith.mulf %get3A_774, %get3A_67 : vector<16xf32>
      %ne3A_776 = arith.cmpf one, %mul3A_775, %mul3A_775 : vector<16xf32>
      %jit3A_777 = arith.constant 0.000000e+00 : f32
      %broadcast_in_dim3A_778 = vector.broadcast %jit3A_777 : f32 to vector<16xf32>
      %select_n3A_779 = arith.select %ne3A_776, %broadcast_in_dim3A_778, %mul3A_775 : vector<16xi1>, vector<16xf32>
      %add3A_780 = arith.addf %add3A_770, %select_n3A_779 : vector<16xf32>
      %get3A_781 = arith.index_cast %add3A_731 : i32 to index
      %get3A_782 = arith.constant 80 : index
      %get3A_783 = tpu.vector_load %arg6[%get3A_781, %get3A_782] {strides = array<i32>} : memref<128x100xf32, #tpu.memory_space<vmem>>, vector<1x16xf32>,
      %get3A_784 = vector.shape_cast %get3A_783 : vector<1x16xf32> to vector<16xf32>
      %mul3A_785 = arith.mulf %get3A_784, %get3A_72 : vector<16xf32>
      %ne3A_786 = arith.cmpf one, %mul3A_785, %mul3A_785 : vector<16xf32>
      %jit3A_787 = arith.constant 0.000000e+00 : f32
      %broadcast_in_dim3A_788 = vector.broadcast %jit3A_787 : f32 to vector<16xf32>
      %select_n3A_789 = arith.select %ne3A_786, %broadcast_in_dim3A_788, %mul3A_785 : vector<16xi1>, vector<16xf32>
      %add3A_790 = arith.addf %add3A_780, %select_n3A_789 : vector<16xf32>
      %get3A_791 = arith.index_cast %add3A_731 : i32 to index
      %get3A_792 = arith.constant 84 : index
      %get3A_793 = tpu.vector_load %arg6[%get3A_791, %get3A_792] {strides = array<i32>} : memref<128x100xf32, #tpu.memory_space<vmem>>, vector<1x16xf32>,
      %get3A_794 = vector.shape_cast %get3A_793 : vector<1x16xf32> to vector<16xf32>
      %mul3A_795 = arith.mulf %get3A_794, %get3A_77 : vector<16xf32>
      %ne3A_796 = arith.cmpf one, %mul3A_795, %mul3A_795 : vector<16xf32>
      %jit3A_797 = arith.constant 0.000000e+00 : f32
      %broadcast_in_dim3A_798 = vector.broadcast %jit3A_797 : f32 to vector<16xf32>
      %select_n3A_799 = arith.select %ne3A_796, %broadcast_in_dim3A_798, %mul3A_795 : vector<16xi1>, vector<16xf32>
      %add3A_800 = arith.addf %add3A_790, %select_n3A_799 : vector<16xf32>
      %add3A_801 = arith.constant 10 : i32
      %add3A_802 = arith.addi %mul3A_94, %add3A_801 : i32
      %get3A_803 = arith.index_cast %add3A_802 : i32 to index
      %get3A_804 = arith.constant 0 : index
      %get3A_805 = tpu.vector_load %arg6[%get3A_803, %get3A_804] {strides = array<i32>} : memref<128x100xf32, #tpu.memory_space<vmem>>, vector<1x16xf32>,
      %get3A_806 = vector.shape_cast %get3A_805 : vector<1x16xf32> to vector<16xf32>
      %mul3A_807 = arith.mulf %get3A_806, %get3A_47 : vector<16xf32>
      %ne3A_808 = arith.cmpf one, %mul3A_807, %mul3A_807 : vector<16xf32>
      %jit3A_809 = arith.constant 0.000000e+00 : f32
      %broadcast_in_dim3A_810 = vector.broadcast %jit3A_809 : f32 to vector<16xf32>
      %select_n3A_811 = arith.select %ne3A_808, %broadcast_in_dim3A_810, %mul3A_807 : vector<16xi1>, vector<16xf32>
      %get3A_812 = arith.index_cast %add3A_802 : i32 to index
      %get3A_813 = arith.constant 16 : index
      %get3A_814 = tpu.vector_load %arg6[%get3A_812, %get3A_813] {strides = array<i32>} : memref<128x100xf32, #tpu.memory_space<vmem>>, vector<1x16xf32>,
      %get3A_815 = vector.shape_cast %get3A_814 : vector<1x16xf32> to vector<16xf32>
      %mul3A_816 = arith.mulf %get3A_815, %get3A_52 : vector<16xf32>
      %ne3A_817 = arith.cmpf one, %mul3A_816, %mul3A_816 : vector<16xf32>
      %jit3A_818 = arith.constant 0.000000e+00 : f32
      %broadcast_in_dim3A_819 = vector.broadcast %jit3A_818 : f32 to vector<16xf32>
      %select_n3A_820 = arith.select %ne3A_817, %broadcast_in_dim3A_819, %mul3A_816 : vector<16xi1>, vector<16xf32>
      %add3A_821 = arith.addf %select_n3A_811, %select_n3A_820 : vector<16xf32>
      %get3A_822 = arith.index_cast %add3A_802 : i32 to index
      %get3A_823 = arith.constant 32 : index
      %get3A_824 = tpu.vector_load %arg6[%get3A_822, %get3A_823] {strides = array<i32>} : memref<128x100xf32, #tpu.memory_space<vmem>>, vector<1x16xf32>,
      %get3A_825 = vector.shape_cast %get3A_824 : vector<1x16xf32> to vector<16xf32>
      %mul3A_826 = arith.mulf %get3A_825, %get3A_57 : vector<16xf32>
      %ne3A_827 = arith.cmpf one, %mul3A_826, %mul3A_826 : vector<16xf32>
      %jit3A_828 = arith.constant 0.000000e+00 : f32
      %broadcast_in_dim3A_829 = vector.broadcast %jit3A_828 : f32 to vector<16xf32>
      %select_n3A_830 = arith.select %ne3A_827, %broadcast_in_dim3A_829, %mul3A_826 : vector<16xi1>, vector<16xf32>
      %add3A_831 = arith.addf %add3A_821, %select_n3A_830 : vector<16xf32>
      %get3A_832 = arith.index_cast %add3A_802 : i32 to index
      %get3A_833 = arith.constant 48 : index
      %get3A_834 = tpu.vector_load %arg6[%get3A_832, %get3A_833] {strides = array<i32>} : memref<128x100xf32, #tpu.memory_space<vmem>>, vector<1x16xf32>,
      %get3A_835 = vector.shape_cast %get3A_834 : vector<1x16xf32> to vector<16xf32>
      %mul3A_836 = arith.mulf %get3A_835, %get3A_62 : vector<16xf32>
      %ne3A_837 = arith.cmpf one, %mul3A_836, %mul3A_836 : vector<16xf32>
      %jit3A_838 = arith.constant 0.000000e+00 : f32
      %broadcast_in_dim3A_839 = vector.broadcast %jit3A_838 : f32 to vector<16xf32>
      %select_n3A_840 = arith.select %ne3A_837, %broadcast_in_dim3A_839, %mul3A_836 : vector<16xi1>, vector<16xf32>
      %add3A_841 = arith.addf %add3A_831, %select_n3A_840 : vector<16xf32>
      %get3A_842 = arith.index_cast %add3A_802 : i32 to index
      %get3A_843 = arith.constant 64 : index
      %get3A_844 = tpu.vector_load %arg6[%get3A_842, %get3A_843] {strides = array<i32>} : memref<128x100xf32, #tpu.memory_space<vmem>>, vector<1x16xf32>,
      %get3A_845 = vector.shape_cast %get3A_844 : vector<1x16xf32> to vector<16xf32>
      %mul3A_846 = arith.mulf %get3A_845, %get3A_67 : vector<16xf32>
      %ne3A_847 = arith.cmpf one, %mul3A_846, %mul3A_846 : vector<16xf32>
      %jit3A_848 = arith.constant 0.000000e+00 : f32
      %broadcast_in_dim3A_849 = vector.broadcast %jit3A_848 : f32 to vector<16xf32>
      %select_n3A_850 = arith.select %ne3A_847, %broadcast_in_dim3A_849, %mul3A_846 : vector<16xi1>, vector<16xf32>
      %add3A_851 = arith.addf %add3A_841, %select_n3A_850 : vector<16xf32>
      %get3A_852 = arith.index_cast %add3A_802 : i32 to index
      %get3A_853 = arith.constant 80 : index
      %get3A_854 = tpu.vector_load %arg6[%get3A_852, %get3A_853] {strides = array<i32>} : memref<128x100xf32, #tpu.memory_space<vmem>>, vector<1x16xf32>,
      %get3A_855 = vector.shape_cast %get3A_854 : vector<1x16xf32> to vector<16xf32>
      %mul3A_856 = arith.mulf %get3A_855, %get3A_72 : vector<16xf32>
      %ne3A_857 = arith.cmpf one, %mul3A_856, %mul3A_856 : vector<16xf32>
      %jit3A_858 = arith.constant 0.000000e+00 : f32
      %broadcast_in_dim3A_859 = vector.broadcast %jit3A_858 : f32 to vector<16xf32>
      %select_n3A_860 = arith.select %ne3A_857, %broadcast_in_dim3A_859, %mul3A_856 : vector<16xi1>, vector<16xf32>
      %add3A_861 = arith.addf %add3A_851, %select_n3A_860 : vector<16xf32>
      %get3A_862 = arith.index_cast %add3A_802 : i32 to index
      %get3A_863 = arith.constant 84 : index
      %get3A_864 = tpu.vector_load %arg6[%get3A_862, %get3A_863] {strides = array<i32>} : memref<128x100xf32, #tpu.memory_space<vmem>>, vector<1x16xf32>,
      %get3A_865 = vector.shape_cast %get3A_864 : vector<1x16xf32> to vector<16xf32>
      %mul3A_866 = arith.mulf %get3A_865, %get3A_77 : vector<16xf32>
      %ne3A_867 = arith.cmpf one, %mul3A_866, %mul3A_866 : vector<16xf32>
      %jit3A_868 = arith.constant 0.000000e+00 : f32
      %broadcast_in_dim3A_869 = vector.broadcast %jit3A_868 : f32 to vector<16xf32>
      %select_n3A_870 = arith.select %ne3A_867, %broadcast_in_dim3A_869, %mul3A_866 : vector<16xi1>, vector<16xf32>
      %add3A_871 = arith.addf %add3A_861, %select_n3A_870 : vector<16xf32>
      %add3A_872 = arith.constant 11 : i32
      %add3A_873 = arith.addi %mul3A_94, %add3A_872 : i32
      %get3A_874 = arith.index_cast %add3A_873 : i32 to index
      %get3A_875 = arith.constant 0 : index
      %get3A_876 = tpu.vector_load %arg6[%get3A_874, %get3A_875] {strides = array<i32>} : memref<128x100xf32, #tpu.memory_space<vmem>>, vector<1x16xf32>,
      %get3A_877 = vector.shape_cast %get3A_876 : vector<1x16xf32> to vector<16xf32>
      %mul3A_878 = arith.mulf %get3A_877, %get3A_47 : vector<16xf32>
      %ne3A_879 = arith.cmpf one, %mul3A_878, %mul3A_878 : vector<16xf32>
      %jit3A_880 = arith.constant 0.000000e+00 : f32
      %broadcast_in_dim3A_881 = vector.broadcast %jit3A_880 : f32 to vector<16xf32>
      %select_n3A_882 = arith.select %ne3A_879, %broadcast_in_dim3A_881, %mul3A_878 : vector<16xi1>, vector<16xf32>
      %get3A_883 = arith.index_cast %add3A_873 : i32 to index
      %get3A_884 = arith.constant 16 : index
      %get3A_885 = tpu.vector_load %arg6[%get3A_883, %get3A_884] {strides = array<i32>} : memref<128x100xf32, #tpu.memory_space<vmem>>, vector<1x16xf32>,
      %get3A_886 = vector.shape_cast %get3A_885 : vector<1x16xf32> to vector<16xf32>
      %mul3A_887 = arith.mulf %get3A_886, %get3A_52 : vector<16xf32>
      %ne3A_888 = arith.cmpf one, %mul3A_887, %mul3A_887 : vector<16xf32>
      %jit3A_889 = arith.constant 0.000000e+00 : f32
      %broadcast_in_dim3A_890 = vector.broadcast %jit3A_889 : f32 to vector<16xf32>
      %select_n3A_891 = arith.select %ne3A_888, %broadcast_in_dim3A_890, %mul3A_887 : vector<16xi1>, vector<16xf32>
      %add3A_892 = arith.addf %select_n3A_882, %select_n3A_891 : vector<16xf32>
      %get3A_893 = arith.index_cast %add3A_873 : i32 to index
      %get3A_894 = arith.constant 32 : index
      %get3A_895 = tpu.vector_load %arg6[%get3A_893, %get3A_894] {strides = array<i32>} : memref<128x100xf32, #tpu.memory_space<vmem>>, vector<1x16xf32>,
      %get3A_896 = vector.shape_cast %get3A_895 : vector<1x16xf32> to vector<16xf32>
      %mul3A_897 = arith.mulf %get3A_896, %get3A_57 : vector<16xf32>
      %ne3A_898 = arith.cmpf one, %mul3A_897, %mul3A_897 : vector<16xf32>
      %jit3A_899 = arith.constant 0.000000e+00 : f32
      %broadcast_in_dim3A_900 = vector.broadcast %jit3A_899 : f32 to vector<16xf32>
      %select_n3A_901 = arith.select %ne3A_898, %broadcast_in_dim3A_900, %mul3A_897 : vector<16xi1>, vector<16xf32>
      %add3A_902 = arith.addf %add3A_892, %select_n3A_901 : vector<16xf32>
      %get3A_903 = arith.index_cast %add3A_873 : i32 to index
      %get3A_904 = arith.constant 48 : index
      %get3A_905 = tpu.vector_load %arg6[%get3A_903, %get3A_904] {strides = array<i32>} : memref<128x100xf32, #tpu.memory_space<vmem>>, vector<1x16xf32>,
      %get3A_906 = vector.shape_cast %get3A_905 : vector<1x16xf32> to vector<16xf32>
      %mul3A_907 = arith.mulf %get3A_906, %get3A_62 : vector<16xf32>
      %ne3A_908 = arith.cmpf one, %mul3A_907, %mul3A_907 : vector<16xf32>
      %jit3A_909 = arith.constant 0.000000e+00 : f32
      %broadcast_in_dim3A_910 = vector.broadcast %jit3A_909 : f32 to vector<16xf32>
      %select_n3A_911 = arith.select %ne3A_908, %broadcast_in_dim3A_910, %mul3A_907 : vector<16xi1>, vector<16xf32>
      %add3A_912 = arith.addf %add3A_902, %select_n3A_911 : vector<16xf32>
      %get3A_913 = arith.index_cast %add3A_873 : i32 to index
      %get3A_914 = arith.constant 64 : index
      %get3A_915 = tpu.vector_load %arg6[%get3A_913, %get3A_914] {strides = array<i32>} : memref<128x100xf32, #tpu.memory_space<vmem>>, vector<1x16xf32>,
      %get3A_916 = vector.shape_cast %get3A_915 : vector<1x16xf32> to vector<16xf32>
      %mul3A_917 = arith.mulf %get3A_916, %get3A_67 : vector<16xf32>
      %ne3A_918 = arith.cmpf one, %mul3A_917, %mul3A_917 : vector<16xf32>
      %jit3A_919 = arith.constant 0.000000e+00 : f32
      %broadcast_in_dim3A_920 = vector.broadcast %jit3A_919 : f32 to vector<16xf32>
      %select_n3A_921 = arith.select %ne3A_918, %broadcast_in_dim3A_920, %mul3A_917 : vector<16xi1>, vector<16xf32>
      %add3A_922 = arith.addf %add3A_912, %select_n3A_921 : vector<16xf32>
      %get3A_923 = arith.index_cast %add3A_873 : i32 to index
      %get3A_924 = arith.constant 80 : index
      %get3A_925 = tpu.vector_load %arg6[%get3A_923, %get3A_924] {strides = array<i32>} : memref<128x100xf32, #tpu.memory_space<vmem>>, vector<1x16xf32>,
      %get3A_926 = vector.shape_cast %get3A_925 : vector<1x16xf32> to vector<16xf32>
      %mul3A_927 = arith.mulf %get3A_926, %get3A_72 : vector<16xf32>
      %ne3A_928 = arith.cmpf one, %mul3A_927, %mul3A_927 : vector<16xf32>
      %jit3A_929 = arith.constant 0.000000e+00 : f32
      %broadcast_in_dim3A_930 = vector.broadcast %jit3A_929 : f32 to vector<16xf32>
      %select_n3A_931 = arith.select %ne3A_928, %broadcast_in_dim3A_930, %mul3A_927 : vector<16xi1>, vector<16xf32>
      %add3A_932 = arith.addf %add3A_922, %select_n3A_931 : vector<16xf32>
      %get3A_933 = arith.index_cast %add3A_873 : i32 to index
      %get3A_934 = arith.constant 84 : index
      %get3A_935 = tpu.vector_load %arg6[%get3A_933, %get3A_934] {strides = array<i32>} : memref<128x100xf32, #tpu.memory_space<vmem>>, vector<1x16xf32>,
      %get3A_936 = vector.shape_cast %get3A_935 : vector<1x16xf32> to vector<16xf32>
      %mul3A_937 = arith.mulf %get3A_936, %get3A_77 : vector<16xf32>
      %ne3A_938 = arith.cmpf one, %mul3A_937, %mul3A_937 : vector<16xf32>
      %jit3A_939 = arith.constant 0.000000e+00 : f32
      %broadcast_in_dim3A_940 = vector.broadcast %jit3A_939 : f32 to vector<16xf32>
      %select_n3A_941 = arith.select %ne3A_938, %broadcast_in_dim3A_940, %mul3A_937 : vector<16xi1>, vector<16xf32>
      %add3A_942 = arith.addf %add3A_932, %select_n3A_941 : vector<16xf32>
      %add3A_943 = arith.constant 12 : i32
      %add3A_944 = arith.addi %mul3A_94, %add3A_943 : i32
      %get3A_945 = arith.index_cast %add3A_944 : i32 to index
      %get3A_946 = arith.constant 0 : index
      %get3A_947 = tpu.vector_load %arg6[%get3A_945, %get3A_946] {strides = array<i32>} : memref<128x100xf32, #tpu.memory_space<vmem>>, vector<1x16xf32>,
      %get3A_948 = vector.shape_cast %get3A_947 : vector<1x16xf32> to vector<16xf32>
      %mul3A_949 = arith.mulf %get3A_948, %get3A_47 : vector<16xf32>
      %ne3A_950 = arith.cmpf one, %mul3A_949, %mul3A_949 : vector<16xf32>
      %jit3A_951 = arith.constant 0.000000e+00 : f32
      %broadcast_in_dim3A_952 = vector.broadcast %jit3A_951 : f32 to vector<16xf32>
      %select_n3A_953 = arith.select %ne3A_950, %broadcast_in_dim3A_952, %mul3A_949 : vector<16xi1>, vector<16xf32>
      %get3A_954 = arith.index_cast %add3A_944 : i32 to index
      %get3A_955 = arith.constant 16 : index
      %get3A_956 = tpu.vector_load %arg6[%get3A_954, %get3A_955] {strides = array<i32>} : memref<128x100xf32, #tpu.memory_space<vmem>>, vector<1x16xf32>,
      %get3A_957 = vector.shape_cast %get3A_956 : vector<1x16xf32> to vector<16xf32>
      %mul3A_958 = arith.mulf %get3A_957, %get3A_52 : vector<16xf32>
      %ne3A_959 = arith.cmpf one, %mul3A_958, %mul3A_958 : vector<16xf32>
      %jit3A_960 = arith.constant 0.000000e+00 : f32
      %broadcast_in_dim3A_961 = vector.broadcast %jit3A_960 : f32 to vector<16xf32>
      %select_n3A_962 = arith.select %ne3A_959, %broadcast_in_dim3A_961, %mul3A_958 : vector<16xi1>, vector<16xf32>
      %add3A_963 = arith.addf %select_n3A_953, %select_n3A_962 : vector<16xf32>
      %get3A_964 = arith.index_cast %add3A_944 : i32 to index
      %get3A_965 = arith.constant 32 : index
      %get3A_966 = tpu.vector_load %arg6[%get3A_964, %get3A_965] {strides = array<i32>} : memref<128x100xf32, #tpu.memory_space<vmem>>, vector<1x16xf32>,
      %get3A_967 = vector.shape_cast %get3A_966 : vector<1x16xf32> to vector<16xf32>
      %mul3A_968 = arith.mulf %get3A_967, %get3A_57 : vector<16xf32>
      %ne3A_969 = arith.cmpf one, %mul3A_968, %mul3A_968 : vector<16xf32>
      %jit3A_970 = arith.constant 0.000000e+00 : f32
      %broadcast_in_dim3A_971 = vector.broadcast %jit3A_970 : f32 to vector<16xf32>
      %select_n3A_972 = arith.select %ne3A_969, %broadcast_in_dim3A_971, %mul3A_968 : vector<16xi1>, vector<16xf32>
      %add3A_973 = arith.addf %add3A_963, %select_n3A_972 : vector<16xf32>
      %get3A_974 = arith.index_cast %add3A_944 : i32 to index
      %get3A_975 = arith.constant 48 : index
      %get3A_976 = tpu.vector_load %arg6[%get3A_974, %get3A_975] {strides = array<i32>} : memref<128x100xf32, #tpu.memory_space<vmem>>, vector<1x16xf32>,
      %get3A_977 = vector.shape_cast %get3A_976 : vector<1x16xf32> to vector<16xf32>
      %mul3A_978 = arith.mulf %get3A_977, %get3A_62 : vector<16xf32>
      %ne3A_979 = arith.cmpf one, %mul3A_978, %mul3A_978 : vector<16xf32>
      %jit3A_980 = arith.constant 0.000000e+00 : f32
      %broadcast_in_dim3A_981 = vector.broadcast %jit3A_980 : f32 to vector<16xf32>
      %select_n3A_982 = arith.select %ne3A_979, %broadcast_in_dim3A_981, %mul3A_978 : vector<16xi1>, vector<16xf32>
      %add3A_983 = arith.addf %add3A_973, %select_n3A_982 : vector<16xf32>
      %get3A_984 = arith.index_cast %add3A_944 : i32 to index
      %get3A_985 = arith.constant 64 : index
      %get3A_986 = tpu.vector_load %arg6[%get3A_984, %get3A_985] {strides = array<i32>} : memref<128x100xf32, #tpu.memory_space<vmem>>, vector<1x16xf32>,
      %get3A_987 = vector.shape_cast %get3A_986 : vector<1x16xf32> to vector<16xf32>
      %mul3A_988 = arith.mulf %get3A_987, %get3A_67 : vector<16xf32>
      %ne3A_989 = arith.cmpf one, %mul3A_988, %mul3A_988 : vector<16xf32>
      %jit3A_990 = arith.constant 0.000000e+00 : f32
      %broadcast_in_dim3A_991 = vector.broadcast %jit3A_990 : f32 to vector<16xf32>
      %select_n3A_992 = arith.select %ne3A_989, %broadcast_in_dim3A_991, %mul3A_988 : vector<16xi1>, vector<16xf32>
      %add3A_993 = arith.addf %add3A_983, %select_n3A_992 : vector<16xf32>
      %get3A_994 = arith.index_cast %add3A_944 : i32 to index
      %get3A_995 = arith.constant 80 : index
      %get3A_996 = tpu.vector_load %arg6[%get3A_994, %get3A_995] {strides = array<i32>} : memref<128x100xf32, #tpu.memory_space<vmem>>, vector<1x16xf32>,
      %get3A_997 = vector.shape_cast %get3A_996 : vector<1x16xf32> to vector<16xf32>
      %mul3A_998 = arith.mulf %get3A_997, %get3A_72 : vector<16xf32>
      %ne3A_999 = arith.cmpf one, %mul3A_998, %mul3A_998 : vector<16xf32>
      %jit3A_1000 = arith.constant 0.000000e+00 : f32
      %broadcast_in_dim3A_1001 = vector.broadcast %jit3A_1000 : f32 to vector<16xf32>
      %select_n3A_1002 = arith.select %ne3A_999, %broadcast_in_dim3A_1001, %mul3A_998 : vector<16xi1>, vector<16xf32>
      %add3A_1003 = arith.addf %add3A_993, %select_n3A_1002 : vector<16xf32>
      %get3A_1004 = arith.index_cast %add3A_944 : i32 to index
      %get3A_1005 = arith.constant 84 : index
      %get3A_1006 = tpu.vector_load %arg6[%get3A_1004, %get3A_1005] {strides = array<i32>} : memref<128x100xf32, #tpu.memory_space<vmem>>, vector<1x16xf32>,
      %get3A_1007 = vector.shape_cast %get3A_1006 : vector<1x16xf32> to vector<16xf32>
      %mul3A_1008 = arith.mulf %get3A_1007, %get3A_77 : vector<16xf32>
      %ne3A_1009 = arith.cmpf one, %mul3A_1008, %mul3A_1008 : vector<16xf32>
      %jit3A_1010 = arith.constant 0.000000e+00 : f32
      %broadcast_in_dim3A_1011 = vector.broadcast %jit3A_1010 : f32 to vector<16xf32>
      %select_n3A_1012 = arith.select %ne3A_1009, %broadcast_in_dim3A_1011, %mul3A_1008 : vector<16xi1>, vector<16xf32>
      %add3A_1013 = arith.addf %add3A_1003, %select_n3A_1012 : vector<16xf32>
      %add3A_1014 = arith.constant 13 : i32
      %add3A_1015 = arith.addi %mul3A_94, %add3A_1014 : i32
      %get3A_1016 = arith.index_cast %add3A_1015 : i32 to index
      %get3A_1017 = arith.constant 0 : index
      %get3A_1018 = tpu.vector_load %arg6[%get3A_1016, %get3A_1017] {strides = array<i32>} : memref<128x100xf32, #tpu.memory_space<vmem>>, vector<1x16xf32>,
      %get3A_1019 = vector.shape_cast %get3A_1018 : vector<1x16xf32> to vector<16xf32>
      %mul3A_1020 = arith.mulf %get3A_1019, %get3A_47 : vector<16xf32>
      %ne3A_1021 = arith.cmpf one, %mul3A_1020, %mul3A_1020 : vector<16xf32>
      %jit3A_1022 = arith.constant 0.000000e+00 : f32
      %broadcast_in_dim3A_1023 = vector.broadcast %jit3A_1022 : f32 to vector<16xf32>
      %select_n3A_1024 = arith.select %ne3A_1021, %broadcast_in_dim3A_1023, %mul3A_1020 : vector<16xi1>, vector<16xf32>
      %get3A_1025 = arith.index_cast %add3A_1015 : i32 to index
      %get3A_1026 = arith.constant 16 : index
      %get3A_1027 = tpu.vector_load %arg6[%get3A_1025, %get3A_1026] {strides = array<i32>} : memref<128x100xf32, #tpu.memory_space<vmem>>, vector<1x16xf32>,
      %get3A_1028 = vector.shape_cast %get3A_1027 : vector<1x16xf32> to vector<16xf32>
      %mul3A_1029 = arith.mulf %get3A_1028, %get3A_52 : vector<16xf32>
      %ne3A_1030 = arith.cmpf one, %mul3A_1029, %mul3A_1029 : vector<16xf32>
      %jit3A_1031 = arith.constant 0.000000e+00 : f32
      %broadcast_in_dim3A_1032 = vector.broadcast %jit3A_1031 : f32 to vector<16xf32>
      %select_n3A_1033 = arith.select %ne3A_1030, %broadcast_in_dim3A_1032, %mul3A_1029 : vector<16xi1>, vector<16xf32>
      %add3A_1034 = arith.addf %select_n3A_1024, %select_n3A_1033 : vector<16xf32>
      %get3A_1035 = arith.index_cast %add3A_1015 : i32 to index
      %get3A_1036 = arith.constant 32 : index
      %get3A_1037 = tpu.vector_load %arg6[%get3A_1035, %get3A_1036] {strides = array<i32>} : memref<128x100xf32, #tpu.memory_space<vmem>>, vector<1x16xf32>,
      %get3A_1038 = vector.shape_cast %get3A_1037 : vector<1x16xf32> to vector<16xf32>
      %mul3A_1039 = arith.mulf %get3A_1038, %get3A_57 : vector<16xf32>
      %ne3A_1040 = arith.cmpf one, %mul3A_1039, %mul3A_1039 : vector<16xf32>
      %jit3A_1041 = arith.constant 0.000000e+00 : f32
      %broadcast_in_dim3A_1042 = vector.broadcast %jit3A_1041 : f32 to vector<16xf32>
      %select_n3A_1043 = arith.select %ne3A_1040, %broadcast_in_dim3A_1042, %mul3A_1039 : vector<16xi1>, vector<16xf32>
      %add3A_1044 = arith.addf %add3A_1034, %select_n3A_1043 : vector<16xf32>
      %get3A_1045 = arith.index_cast %add3A_1015 : i32 to index
      %get3A_1046 = arith.constant 48 : index
      %get3A_1047 = tpu.vector_load %arg6[%get3A_1045, %get3A_1046] {strides = array<i32>} : memref<128x100xf32, #tpu.memory_space<vmem>>, vector<1x16xf32>,
      %get3A_1048 = vector.shape_cast %get3A_1047 : vector<1x16xf32> to vector<16xf32>
      %mul3A_1049 = arith.mulf %get3A_1048, %get3A_62 : vector<16xf32>
      %ne3A_1050 = arith.cmpf one, %mul3A_1049, %mul3A_1049 : vector<16xf32>
      %jit3A_1051 = arith.constant 0.000000e+00 : f32
      %broadcast_in_dim3A_1052 = vector.broadcast %jit3A_1051 : f32 to vector<16xf32>
      %select_n3A_1053 = arith.select %ne3A_1050, %broadcast_in_dim3A_1052, %mul3A_1049 : vector<16xi1>, vector<16xf32>
      %add3A_1054 = arith.addf %add3A_1044, %select_n3A_1053 : vector<16xf32>
      %get3A_1055 = arith.index_cast %add3A_1015 : i32 to index
      %get3A_1056 = arith.constant 64 : index
      %get3A_1057 = tpu.vector_load %arg6[%get3A_1055, %get3A_1056] {strides = array<i32>} : memref<128x100xf32, #tpu.memory_space<vmem>>, vector<1x16xf32>,
      %get3A_1058 = vector.shape_cast %get3A_1057 : vector<1x16xf32> to vector<16xf32>
      %mul3A_1059 = arith.mulf %get3A_1058, %get3A_67 : vector<16xf32>
      %ne3A_1060 = arith.cmpf one, %mul3A_1059, %mul3A_1059 : vector<16xf32>
      %jit3A_1061 = arith.constant 0.000000e+00 : f32
      %broadcast_in_dim3A_1062 = vector.broadcast %jit3A_1061 : f32 to vector<16xf32>
      %select_n3A_1063 = arith.select %ne3A_1060, %broadcast_in_dim3A_1062, %mul3A_1059 : vector<16xi1>, vector<16xf32>
      %add3A_1064 = arith.addf %add3A_1054, %select_n3A_1063 : vector<16xf32>
      %get3A_1065 = arith.index_cast %add3A_1015 : i32 to index
      %get3A_1066 = arith.constant 80 : index
      %get3A_1067 = tpu.vector_load %arg6[%get3A_1065, %get3A_1066] {strides = array<i32>} : memref<128x100xf32, #tpu.memory_space<vmem>>, vector<1x16xf32>,
      %get3A_1068 = vector.shape_cast %get3A_1067 : vector<1x16xf32> to vector<16xf32>
      %mul3A_1069 = arith.mulf %get3A_1068, %get3A_72 : vector<16xf32>
      %ne3A_1070 = arith.cmpf one, %mul3A_1069, %mul3A_1069 : vector<16xf32>
      %jit3A_1071 = arith.constant 0.000000e+00 : f32
      %broadcast_in_dim3A_1072 = vector.broadcast %jit3A_1071 : f32 to vector<16xf32>
      %select_n3A_1073 = arith.select %ne3A_1070, %broadcast_in_dim3A_1072, %mul3A_1069 : vector<16xi1>, vector<16xf32>
      %add3A_1074 = arith.addf %add3A_1064, %select_n3A_1073 : vector<16xf32>
      %get3A_1075 = arith.index_cast %add3A_1015 : i32 to index
      %get3A_1076 = arith.constant 84 : index
      %get3A_1077 = tpu.vector_load %arg6[%get3A_1075, %get3A_1076] {strides = array<i32>} : memref<128x100xf32, #tpu.memory_space<vmem>>, vector<1x16xf32>,
      %get3A_1078 = vector.shape_cast %get3A_1077 : vector<1x16xf32> to vector<16xf32>
      %mul3A_1079 = arith.mulf %get3A_1078, %get3A_77 : vector<16xf32>
      %ne3A_1080 = arith.cmpf one, %mul3A_1079, %mul3A_1079 : vector<16xf32>
      %jit3A_1081 = arith.constant 0.000000e+00 : f32
      %broadcast_in_dim3A_1082 = vector.broadcast %jit3A_1081 : f32 to vector<16xf32>
      %select_n3A_1083 = arith.select %ne3A_1080, %broadcast_in_dim3A_1082, %mul3A_1079 : vector<16xi1>, vector<16xf32>
      %add3A_1084 = arith.addf %add3A_1074, %select_n3A_1083 : vector<16xf32>
      %add3A_1085 = arith.constant 14 : i32
      %add3A_1086 = arith.addi %mul3A_94, %add3A_1085 : i32
      %get3A_1087 = arith.index_cast %add3A_1086 : i32 to index
      %get3A_1088 = arith.constant 0 : index
      %get3A_1089 = tpu.vector_load %arg6[%get3A_1087, %get3A_1088] {strides = array<i32>} : memref<128x100xf32, #tpu.memory_space<vmem>>, vector<1x16xf32>,
      %get3A_1090 = vector.shape_cast %get3A_1089 : vector<1x16xf32> to vector<16xf32>
      %mul3A_1091 = arith.mulf %get3A_1090, %get3A_47 : vector<16xf32>
      %ne3A_1092 = arith.cmpf one, %mul3A_1091, %mul3A_1091 : vector<16xf32>
      %jit3A_1093 = arith.constant 0.000000e+00 : f32
      %broadcast_in_dim3A_1094 = vector.broadcast %jit3A_1093 : f32 to vector<16xf32>
      %select_n3A_1095 = arith.select %ne3A_1092, %broadcast_in_dim3A_1094, %mul3A_1091 : vector<16xi1>, vector<16xf32>
      %get3A_1096 = arith.index_cast %add3A_1086 : i32 to index
      %get3A_1097 = arith.constant 16 : index
      %get3A_1098 = tpu.vector_load %arg6[%get3A_1096, %get3A_1097] {strides = array<i32>} : memref<128x100xf32, #tpu.memory_space<vmem>>, vector<1x16xf32>,
      %get3A_1099 = vector.shape_cast %get3A_1098 : vector<1x16xf32> to vector<16xf32>
      %mul3A_1100 = arith.mulf %get3A_1099, %get3A_52 : vector<16xf32>
      %ne3A_1101 = arith.cmpf one, %mul3A_1100, %mul3A_1100 : vector<16xf32>
      %jit3A_1102 = arith.constant 0.000000e+00 : f32
      %broadcast_in_dim3A_1103 = vector.broadcast %jit3A_1102 : f32 to vector<16xf32>
      %select_n3A_1104 = arith.select %ne3A_1101, %broadcast_in_dim3A_1103, %mul3A_1100 : vector<16xi1>, vector<16xf32>
      %add3A_1105 = arith.addf %select_n3A_1095, %select_n3A_1104 : vector<16xf32>
      %get3A_1106 = arith.index_cast %add3A_1086 : i32 to index
      %get3A_1107 = arith.constant 32 : index
      %get3A_1108 = tpu.vector_load %arg6[%get3A_1106, %get3A_1107] {strides = array<i32>} : memref<128x100xf32, #tpu.memory_space<vmem>>, vector<1x16xf32>,
      %get3A_1109 = vector.shape_cast %get3A_1108 : vector<1x16xf32> to vector<16xf32>
      %mul3A_1110 = arith.mulf %get3A_1109, %get3A_57 : vector<16xf32>
      %ne3A_1111 = arith.cmpf one, %mul3A_1110, %mul3A_1110 : vector<16xf32>
      %jit3A_1112 = arith.constant 0.000000e+00 : f32
      %broadcast_in_dim3A_1113 = vector.broadcast %jit3A_1112 : f32 to vector<16xf32>
      %select_n3A_1114 = arith.select %ne3A_1111, %broadcast_in_dim3A_1113, %mul3A_1110 : vector<16xi1>, vector<16xf32>
      %add3A_1115 = arith.addf %add3A_1105, %select_n3A_1114 : vector<16xf32>
      %get3A_1116 = arith.index_cast %add3A_1086 : i32 to index
      %get3A_1117 = arith.constant 48 : index
      %get3A_1118 = tpu.vector_load %arg6[%get3A_1116, %get3A_1117] {strides = array<i32>} : memref<128x100xf32, #tpu.memory_space<vmem>>, vector<1x16xf32>,
      %get3A_1119 = vector.shape_cast %get3A_1118 : vector<1x16xf32> to vector<16xf32>
      %mul3A_1120 = arith.mulf %get3A_1119, %get3A_62 : vector<16xf32>
      %ne3A_1121 = arith.cmpf one, %mul3A_1120, %mul3A_1120 : vector<16xf32>
      %jit3A_1122 = arith.constant 0.000000e+00 : f32
      %broadcast_in_dim3A_1123 = vector.broadcast %jit3A_1122 : f32 to vector<16xf32>
      %select_n3A_1124 = arith.select %ne3A_1121, %broadcast_in_dim3A_1123, %mul3A_1120 : vector<16xi1>, vector<16xf32>
      %add3A_1125 = arith.addf %add3A_1115, %select_n3A_1124 : vector<16xf32>
      %get3A_1126 = arith.index_cast %add3A_1086 : i32 to index
      %get3A_1127 = arith.constant 64 : index
      %get3A_1128 = tpu.vector_load %arg6[%get3A_1126, %get3A_1127] {strides = array<i32>} : memref<128x100xf32, #tpu.memory_space<vmem>>, vector<1x16xf32>,
      %get3A_1129 = vector.shape_cast %get3A_1128 : vector<1x16xf32> to vector<16xf32>
      %mul3A_1130 = arith.mulf %get3A_1129, %get3A_67 : vector<16xf32>
      %ne3A_1131 = arith.cmpf one, %mul3A_1130, %mul3A_1130 : vector<16xf32>
      %jit3A_1132 = arith.constant 0.000000e+00 : f32
      %broadcast_in_dim3A_1133 = vector.broadcast %jit3A_1132 : f32 to vector<16xf32>
      %select_n3A_1134 = arith.select %ne3A_1131, %broadcast_in_dim3A_1133, %mul3A_1130 : vector<16xi1>, vector<16xf32>
      %add3A_1135 = arith.addf %add3A_1125, %select_n3A_1134 : vector<16xf32>
      %get3A_1136 = arith.index_cast %add3A_1086 : i32 to index
      %get3A_1137 = arith.constant 80 : index
      %get3A_1138 = tpu.vector_load %arg6[%get3A_1136, %get3A_1137] {strides = array<i32>} : memref<128x100xf32, #tpu.memory_space<vmem>>, vector<1x16xf32>,
      %get3A_1139 = vector.shape_cast %get3A_1138 : vector<1x16xf32> to vector<16xf32>
      %mul3A_1140 = arith.mulf %get3A_1139, %get3A_72 : vector<16xf32>
      %ne3A_1141 = arith.cmpf one, %mul3A_1140, %mul3A_1140 : vector<16xf32>
      %jit3A_1142 = arith.constant 0.000000e+00 : f32
      %broadcast_in_dim3A_1143 = vector.broadcast %jit3A_1142 : f32 to vector<16xf32>
      %select_n3A_1144 = arith.select %ne3A_1141, %broadcast_in_dim3A_1143, %mul3A_1140 : vector<16xi1>, vector<16xf32>
      %add3A_1145 = arith.addf %add3A_1135, %select_n3A_1144 : vector<16xf32>
      %get3A_1146 = arith.index_cast %add3A_1086 : i32 to index
      %get3A_1147 = arith.constant 84 : index
      %get3A_1148 = tpu.vector_load %arg6[%get3A_1146, %get3A_1147] {strides = array<i32>} : memref<128x100xf32, #tpu.memory_space<vmem>>, vector<1x16xf32>,
      %get3A_1149 = vector.shape_cast %get3A_1148 : vector<1x16xf32> to vector<16xf32>
      %mul3A_1150 = arith.mulf %get3A_1149, %get3A_77 : vector<16xf32>
      %ne3A_1151 = arith.cmpf one, %mul3A_1150, %mul3A_1150 : vector<16xf32>
      %jit3A_1152 = arith.constant 0.000000e+00 : f32
      %broadcast_in_dim3A_1153 = vector.broadcast %jit3A_1152 : f32 to vector<16xf32>
      %select_n3A_1154 = arith.select %ne3A_1151, %broadcast_in_dim3A_1153, %mul3A_1150 : vector<16xi1>, vector<16xf32>
      %add3A_1155 = arith.addf %add3A_1145, %select_n3A_1154 : vector<16xf32>
      %add3A_1156 = arith.constant 15 : i32
      %add3A_1157 = arith.addi %mul3A_94, %add3A_1156 : i32
      %get3A_1158 = arith.index_cast %add3A_1157 : i32 to index
      %get3A_1159 = arith.constant 0 : index
      %get3A_1160 = tpu.vector_load %arg6[%get3A_1158, %get3A_1159] {strides = array<i32>} : memref<128x100xf32, #tpu.memory_space<vmem>>, vector<1x16xf32>,
      %get3A_1161 = vector.shape_cast %get3A_1160 : vector<1x16xf32> to vector<16xf32>
      %mul3A_1162 = arith.mulf %get3A_1161, %get3A_47 : vector<16xf32>
      %ne3A_1163 = arith.cmpf one, %mul3A_1162, %mul3A_1162 : vector<16xf32>
      %jit3A_1164 = arith.constant 0.000000e+00 : f32
      %broadcast_in_dim3A_1165 = vector.broadcast %jit3A_1164 : f32 to vector<16xf32>
      %select_n3A_1166 = arith.select %ne3A_1163, %broadcast_in_dim3A_1165, %mul3A_1162 : vector<16xi1>, vector<16xf32>
      %get3A_1167 = arith.index_cast %add3A_1157 : i32 to index
      %get3A_1168 = arith.constant 16 : index
      %get3A_1169 = tpu.vector_load %arg6[%get3A_1167, %get3A_1168] {strides = array<i32>} : memref<128x100xf32, #tpu.memory_space<vmem>>, vector<1x16xf32>,
      %get3A_1170 = vector.shape_cast %get3A_1169 : vector<1x16xf32> to vector<16xf32>
      %mul3A_1171 = arith.mulf %get3A_1170, %get3A_52 : vector<16xf32>
      %ne3A_1172 = arith.cmpf one, %mul3A_1171, %mul3A_1171 : vector<16xf32>
      %jit3A_1173 = arith.constant 0.000000e+00 : f32
      %broadcast_in_dim3A_1174 = vector.broadcast %jit3A_1173 : f32 to vector<16xf32>
      %select_n3A_1175 = arith.select %ne3A_1172, %broadcast_in_dim3A_1174, %mul3A_1171 : vector<16xi1>, vector<16xf32>
      %add3A_1176 = arith.addf %select_n3A_1166, %select_n3A_1175 : vector<16xf32>
      %get3A_1177 = arith.index_cast %add3A_1157 : i32 to index
      %get3A_1178 = arith.constant 32 : index
      %get3A_1179 = tpu.vector_load %arg6[%get3A_1177, %get3A_1178] {strides = array<i32>} : memref<128x100xf32, #tpu.memory_space<vmem>>, vector<1x16xf32>,
      %get3A_1180 = vector.shape_cast %get3A_1179 : vector<1x16xf32> to vector<16xf32>
      %mul3A_1181 = arith.mulf %get3A_1180, %get3A_57 : vector<16xf32>
      %ne3A_1182 = arith.cmpf one, %mul3A_1181, %mul3A_1181 : vector<16xf32>
      %jit3A_1183 = arith.constant 0.000000e+00 : f32
      %broadcast_in_dim3A_1184 = vector.broadcast %jit3A_1183 : f32 to vector<16xf32>
      %select_n3A_1185 = arith.select %ne3A_1182, %broadcast_in_dim3A_1184, %mul3A_1181 : vector<16xi1>, vector<16xf32>
      %add3A_1186 = arith.addf %add3A_1176, %select_n3A_1185 : vector<16xf32>
      %get3A_1187 = arith.index_cast %add3A_1157 : i32 to index
      %get3A_1188 = arith.constant 48 : index
      %get3A_1189 = tpu.vector_load %arg6[%get3A_1187, %get3A_1188] {strides = array<i32>} : memref<128x100xf32, #tpu.memory_space<vmem>>, vector<1x16xf32>,
      %get3A_1190 = vector.shape_cast %get3A_1189 : vector<1x16xf32> to vector<16xf32>
      %mul3A_1191 = arith.mulf %get3A_1190, %get3A_62 : vector<16xf32>
      %ne3A_1192 = arith.cmpf one, %mul3A_1191, %mul3A_1191 : vector<16xf32>
      %jit3A_1193 = arith.constant 0.000000e+00 : f32
      %broadcast_in_dim3A_1194 = vector.broadcast %jit3A_1193 : f32 to vector<16xf32>
      %select_n3A_1195 = arith.select %ne3A_1192, %broadcast_in_dim3A_1194, %mul3A_1191 : vector<16xi1>, vector<16xf32>
      %add3A_1196 = arith.addf %add3A_1186, %select_n3A_1195 : vector<16xf32>
      %get3A_1197 = arith.index_cast %add3A_1157 : i32 to index
      %get3A_1198 = arith.constant 64 : index
      %get3A_1199 = tpu.vector_load %arg6[%get3A_1197, %get3A_1198] {strides = array<i32>} : memref<128x100xf32, #tpu.memory_space<vmem>>, vector<1x16xf32>,
      %get3A_1200 = vector.shape_cast %get3A_1199 : vector<1x16xf32> to vector<16xf32>
      %mul3A_1201 = arith.mulf %get3A_1200, %get3A_67 : vector<16xf32>
      %ne3A_1202 = arith.cmpf one, %mul3A_1201, %mul3A_1201 : vector<16xf32>
      %jit3A_1203 = arith.constant 0.000000e+00 : f32
      %broadcast_in_dim3A_1204 = vector.broadcast %jit3A_1203 : f32 to vector<16xf32>
      %select_n3A_1205 = arith.select %ne3A_1202, %broadcast_in_dim3A_1204, %mul3A_1201 : vector<16xi1>, vector<16xf32>
      %add3A_1206 = arith.addf %add3A_1196, %select_n3A_1205 : vector<16xf32>
      %get3A_1207 = arith.index_cast %add3A_1157 : i32 to index
      %get3A_1208 = arith.constant 80 : index
      %get3A_1209 = tpu.vector_load %arg6[%get3A_1207, %get3A_1208] {strides = array<i32>} : memref<128x100xf32, #tpu.memory_space<vmem>>, vector<1x16xf32>,
      %get3A_1210 = vector.shape_cast %get3A_1209 : vector<1x16xf32> to vector<16xf32>
      %mul3A_1211 = arith.mulf %get3A_1210, %get3A_72 : vector<16xf32>
      %ne3A_1212 = arith.cmpf one, %mul3A_1211, %mul3A_1211 : vector<16xf32>
      %jit3A_1213 = arith.constant 0.000000e+00 : f32
      %broadcast_in_dim3A_1214 = vector.broadcast %jit3A_1213 : f32 to vector<16xf32>
      %select_n3A_1215 = arith.select %ne3A_1212, %broadcast_in_dim3A_1214, %mul3A_1211 : vector<16xi1>, vector<16xf32>
      %add3A_1216 = arith.addf %add3A_1206, %select_n3A_1215 : vector<16xf32>
      %get3A_1217 = arith.index_cast %add3A_1157 : i32 to index
      %get3A_1218 = arith.constant 84 : index
      %get3A_1219 = tpu.vector_load %arg6[%get3A_1217, %get3A_1218] {strides = array<i32>} : memref<128x100xf32, #tpu.memory_space<vmem>>, vector<1x16xf32>,
      %get3A_1220 = vector.shape_cast %get3A_1219 : vector<1x16xf32> to vector<16xf32>
      %mul3A_1221 = arith.mulf %get3A_1220, %get3A_77 : vector<16xf32>
      %ne3A_1222 = arith.cmpf one, %mul3A_1221, %mul3A_1221 : vector<16xf32>
      %jit3A_1223 = arith.constant 0.000000e+00 : f32
      %broadcast_in_dim3A_1224 = vector.broadcast %jit3A_1223 : f32 to vector<16xf32>
      %select_n3A_1225 = arith.select %ne3A_1222, %broadcast_in_dim3A_1224, %mul3A_1221 : vector<16xi1>, vector<16xf32>
      %add3A_1226 = arith.addf %add3A_1216, %select_n3A_1225 : vector<16xf32>
      %lt3A = arith.constant 0 : i32
      %lt3A_1227 = vector.broadcast %lt3A : i32 to vector<16xi32>
      %lt3A_1228 = arith.cmpi slt, %xor3A_11, %lt3A_1227 : vector<16xi32>
      %add3A_1229 = arith.constant 16 : i32
      %add3A_1230 = vector.broadcast %add3A_1229 : i32 to vector<16xi32>
      %add3A_1231 = arith.addi %xor3A_11, %add3A_1230 : vector<16xi32>
      %select_n3A_1232 = arith.select %lt3A_1228, %add3A_1231, %xor3A_11 : vector<16xi1>, vector<16xi32>
      %broadcast_in_dim3A_1233 = vector.shape_cast %select_n3A_1232 : vector<16xi32> to vector<16x1xi32>
      %gather3A = vector.shape_cast %broadcast_in_dim3A_1233 : vector<16x1xi32> to vector<16xi32>
      %gather3A_1234 = tpu.dynamic_gather %add3A_161[%gather3A] in [0] : vector<16xf32>, vector<16xi32> -> vector<16xf32>
      %add3A_1235 = arith.addf %add3A_161, %gather3A_1234 : vector<16xf32>
      %lt3A_1236 = arith.constant 0 : i32
      %lt3A_1237 = vector.broadcast %lt3A_1236 : i32 to vector<16xi32>
      %lt3A_1238 = arith.cmpi slt, %xor3A_11, %lt3A_1237 : vector<16xi32>
      %add3A_1239 = arith.constant 16 : i32
      %add3A_1240 = vector.broadcast %add3A_1239 : i32 to vector<16xi32>
      %add3A_1241 = arith.addi %xor3A_11, %add3A_1240 : vector<16xi32>
      %select_n3A_1242 = arith.select %lt3A_1238, %add3A_1241, %xor3A_11 : vector<16xi1>, vector<16xi32>
      %broadcast_in_dim3A_1243 = vector.shape_cast %select_n3A_1242 : vector<16xi32> to vector<16x1xi32>
      %gather3A_1244 = vector.shape_cast %broadcast_in_dim3A_1243 : vector<16x1xi32> to vector<16xi32>
      %gather3A_1245 = tpu.dynamic_gather %add3A_729[%gather3A_1244] in [0] : vector<16xf32>, vector<16xi32> -> vector<16xf32>
      %add3A_1246 = arith.addf %add3A_729, %gather3A_1245 : vector<16xf32>
      %select_n3A_1247 = arith.select %eq3A_24, %add3A_1235, %add3A_1246 : vector<16xi1>, vector<16xf32>
      %lt3A_1248 = arith.constant 0 : i32
      %lt3A_1249 = vector.broadcast %lt3A_1248 : i32 to vector<16xi32>
      %lt3A_1250 = arith.cmpi slt, %xor3A_11, %lt3A_1249 : vector<16xi32>
      %add3A_1251 = arith.constant 16 : i32
      %add3A_1252 = vector.broadcast %add3A_1251 : i32 to vector<16xi32>
      %add3A_1253 = arith.addi %xor3A_11, %add3A_1252 : vector<16xi32>
      %select_n3A_1254 = arith.select %lt3A_1250, %add3A_1253, %xor3A_11 : vector<16xi1>, vector<16xi32>
      %broadcast_in_dim3A_1255 = vector.shape_cast %select_n3A_1254 : vector<16xi32> to vector<16x1xi32>
      %gather3A_1256 = vector.shape_cast %broadcast_in_dim3A_1255 : vector<16x1xi32> to vector<16xi32>
      %gather3A_1257 = tpu.dynamic_gather %add3A_445[%gather3A_1256] in [0] : vector<16xf32>, vector<16xi32> -> vector<16xf32>
      %add3A_1258 = arith.addf %add3A_445, %gather3A_1257 : vector<16xf32>
      %lt3A_1259 = arith.constant 0 : i32
      %lt3A_1260 = vector.broadcast %lt3A_1259 : i32 to vector<16xi32>
      %lt3A_1261 = arith.cmpi slt, %xor3A_11, %lt3A_1260 : vector<16xi32>
      %add3A_1262 = arith.constant 16 : i32
      %add3A_1263 = vector.broadcast %add3A_1262 : i32 to vector<16xi32>
      %add3A_1264 = arith.addi %xor3A_11, %add3A_1263 : vector<16xi32>
      %select_n3A_1265 = arith.select %lt3A_1261, %add3A_1264, %xor3A_11 : vector<16xi1>, vector<16xi32>
      %broadcast_in_dim3A_1266 = vector.shape_cast %select_n3A_1265 : vector<16xi32> to vector<16x1xi32>
      %gather3A_1267 = vector.shape_cast %broadcast_in_dim3A_1266 : vector<16x1xi32> to vector<16xi32>
      %gather3A_1268 = tpu.dynamic_gather %add3A_1013[%gather3A_1267] in [0] : vector<16xf32>, vector<16xi32> -> vector<16xf32>
      %add3A_1269 = arith.addf %add3A_1013, %gather3A_1268 : vector<16xf32>
      %select_n3A_1270 = arith.select %eq3A_24, %add3A_1258, %add3A_1269 : vector<16xi1>, vector<16xf32>
      %lt3A_1271 = arith.constant 0 : i32
      %lt3A_1272 = vector.broadcast %lt3A_1271 : i32 to vector<16xi32>
      %lt3A_1273 = arith.cmpi slt, %xor3A_11, %lt3A_1272 : vector<16xi32>
      %add3A_1274 = arith.constant 16 : i32
      %add3A_1275 = vector.broadcast %add3A_1274 : i32 to vector<16xi32>
      %add3A_1276 = arith.addi %xor3A_11, %add3A_1275 : vector<16xi32>
      %select_n3A_1277 = arith.select %lt3A_1273, %add3A_1276, %xor3A_11 : vector<16xi1>, vector<16xi32>
      %broadcast_in_dim3A_1278 = vector.shape_cast %select_n3A_1277 : vector<16xi32> to vector<16x1xi32>
      %gather3A_1279 = vector.shape_cast %broadcast_in_dim3A_1278 : vector<16x1xi32> to vector<16xi32>
      %gather3A_1280 = tpu.dynamic_gather %add3A_303[%gather3A_1279] in [0] : vector<16xf32>, vector<16xi32> -> vector<16xf32>
      %add3A_1281 = arith.addf %add3A_303, %gather3A_1280 : vector<16xf32>
      %lt3A_1282 = arith.constant 0 : i32
      %lt3A_1283 = vector.broadcast %lt3A_1282 : i32 to vector<16xi32>
      %lt3A_1284 = arith.cmpi slt, %xor3A_11, %lt3A_1283 : vector<16xi32>
      %add3A_1285 = arith.constant 16 : i32
      %add3A_1286 = vector.broadcast %add3A_1285 : i32 to vector<16xi32>
      %add3A_1287 = arith.addi %xor3A_11, %add3A_1286 : vector<16xi32>
      %select_n3A_1288 = arith.select %lt3A_1284, %add3A_1287, %xor3A_11 : vector<16xi1>, vector<16xi32>
      %broadcast_in_dim3A_1289 = vector.shape_cast %select_n3A_1288 : vector<16xi32> to vector<16x1xi32>
      %gather3A_1290 = vector.shape_cast %broadcast_in_dim3A_1289 : vector<16x1xi32> to vector<16xi32>
      %gather3A_1291 = tpu.dynamic_gather %add3A_871[%gather3A_1290] in [0] : vector<16xf32>, vector<16xi32> -> vector<16xf32>
      %add3A_1292 = arith.addf %add3A_871, %gather3A_1291 : vector<16xf32>
      %select_n3A_1293 = arith.select %eq3A_24, %add3A_1281, %add3A_1292 : vector<16xi1>, vector<16xf32>
      %lt3A_1294 = arith.constant 0 : i32
      %lt3A_1295 = vector.broadcast %lt3A_1294 : i32 to vector<16xi32>
      %lt3A_1296 = arith.cmpi slt, %xor3A_11, %lt3A_1295 : vector<16xi32>
      %add3A_1297 = arith.constant 16 : i32
      %add3A_1298 = vector.broadcast %add3A_1297 : i32 to vector<16xi32>
      %add3A_1299 = arith.addi %xor3A_11, %add3A_1298 : vector<16xi32>
      %select_n3A_1300 = arith.select %lt3A_1296, %add3A_1299, %xor3A_11 : vector<16xi1>, vector<16xi32>
      %broadcast_in_dim3A_1301 = vector.shape_cast %select_n3A_1300 : vector<16xi32> to vector<16x1xi32>
      %gather3A_1302 = vector.shape_cast %broadcast_in_dim3A_1301 : vector<16x1xi32> to vector<16xi32>
      %gather3A_1303 = tpu.dynamic_gather %add3A_587[%gather3A_1302] in [0] : vector<16xf32>, vector<16xi32> -> vector<16xf32>
      %add3A_1304 = arith.addf %add3A_587, %gather3A_1303 : vector<16xf32>
      %lt3A_1305 = arith.constant 0 : i32
      %lt3A_1306 = vector.broadcast %lt3A_1305 : i32 to vector<16xi32>
      %lt3A_1307 = arith.cmpi slt, %xor3A_11, %lt3A_1306 : vector<16xi32>
      %add3A_1308 = arith.constant 16 : i32
      %add3A_1309 = vector.broadcast %add3A_1308 : i32 to vector<16xi32>
      %add3A_1310 = arith.addi %xor3A_11, %add3A_1309 : vector<16xi32>
      %select_n3A_1311 = arith.select %lt3A_1307, %add3A_1310, %xor3A_11 : vector<16xi1>, vector<16xi32>
      %broadcast_in_dim3A_1312 = vector.shape_cast %select_n3A_1311 : vector<16xi32> to vector<16x1xi32>
      %gather3A_1313 = vector.shape_cast %broadcast_in_dim3A_1312 : vector<16x1xi32> to vector<16xi32>
      %gather3A_1314 = tpu.dynamic_gather %add3A_1155[%gather3A_1313] in [0] : vector<16xf32>, vector<16xi32> -> vector<16xf32>
      %add3A_1315 = arith.addf %add3A_1155, %gather3A_1314 : vector<16xf32>
      %select_n3A_1316 = arith.select %eq3A_24, %add3A_1304, %add3A_1315 : vector<16xi1>, vector<16xf32>
      %lt3A_1317 = arith.constant 0 : i32
      %lt3A_1318 = vector.broadcast %lt3A_1317 : i32 to vector<16xi32>
      %lt3A_1319 = arith.cmpi slt, %xor3A_11, %lt3A_1318 : vector<16xi32>
      %add3A_1320 = arith.constant 16 : i32
      %add3A_1321 = vector.broadcast %add3A_1320 : i32 to vector<16xi32>
      %add3A_1322 = arith.addi %xor3A_11, %add3A_1321 : vector<16xi32>
      %select_n3A_1323 = arith.select %lt3A_1319, %add3A_1322, %xor3A_11 : vector<16xi1>, vector<16xi32>
      %broadcast_in_dim3A_1324 = vector.shape_cast %select_n3A_1323 : vector<16xi32> to vector<16x1xi32>
      %gather3A_1325 = vector.shape_cast %broadcast_in_dim3A_1324 : vector<16x1xi32> to vector<16xi32>
      %gather3A_1326 = tpu.dynamic_gather %add3A_232[%gather3A_1325] in [0] : vector<16xf32>, vector<16xi32> -> vector<16xf32>
      %add3A_1327 = arith.addf %add3A_232, %gather3A_1326 : vector<16xf32>
      %lt3A_1328 = arith.constant 0 : i32
      %lt3A_1329 = vector.broadcast %lt3A_1328 : i32 to vector<16xi32>
      %lt3A_1330 = arith.cmpi slt, %xor3A_11, %lt3A_1329 : vector<16xi32>
      %add3A_1331 = arith.constant 16 : i32
      %add3A_1332 = vector.broadcast %add3A_1331 : i32 to vector<16xi32>
      %add3A_1333 = arith.addi %xor3A_11, %add3A_1332 : vector<16xi32>
      %select_n3A_1334 = arith.select %lt3A_1330, %add3A_1333, %xor3A_11 : vector<16xi1>, vector<16xi32>
      %broadcast_in_dim3A_1335 = vector.shape_cast %select_n3A_1334 : vector<16xi32> to vector<16x1xi32>
      %gather3A_1336 = vector.shape_cast %broadcast_in_dim3A_1335 : vector<16x1xi32> to vector<16xi32>
      %gather3A_1337 = tpu.dynamic_gather %add3A_800[%gather3A_1336] in [0] : vector<16xf32>, vector<16xi32> -> vector<16xf32>
      %add3A_1338 = arith.addf %add3A_800, %gather3A_1337 : vector<16xf32>
      %select_n3A_1339 = arith.select %eq3A_24, %add3A_1327, %add3A_1338 : vector<16xi1>, vector<16xf32>
      %lt3A_1340 = arith.constant 0 : i32
      %lt3A_1341 = vector.broadcast %lt3A_1340 : i32 to vector<16xi32>
      %lt3A_1342 = arith.cmpi slt, %xor3A_11, %lt3A_1341 : vector<16xi32>
      %add3A_1343 = arith.constant 16 : i32
      %add3A_1344 = vector.broadcast %add3A_1343 : i32 to vector<16xi32>
      %add3A_1345 = arith.addi %xor3A_11, %add3A_1344 : vector<16xi32>
      %select_n3A_1346 = arith.select %lt3A_1342, %add3A_1345, %xor3A_11 : vector<16xi1>, vector<16xi32>
      %broadcast_in_dim3A_1347 = vector.shape_cast %select_n3A_1346 : vector<16xi32> to vector<16x1xi32>
      %gather3A_1348 = vector.shape_cast %broadcast_in_dim3A_1347 : vector<16x1xi32> to vector<16xi32>
      %gather3A_1349 = tpu.dynamic_gather %add3A_516[%gather3A_1348] in [0] : vector<16xf32>, vector<16xi32> -> vector<16xf32>
      %add3A_1350 = arith.addf %add3A_516, %gather3A_1349 : vector<16xf32>
      %lt3A_1351 = arith.constant 0 : i32
      %lt3A_1352 = vector.broadcast %lt3A_1351 : i32 to vector<16xi32>
      %lt3A_1353 = arith.cmpi slt, %xor3A_11, %lt3A_1352 : vector<16xi32>
      %add3A_1354 = arith.constant 16 : i32
      %add3A_1355 = vector.broadcast %add3A_1354 : i32 to vector<16xi32>
      %add3A_1356 = arith.addi %xor3A_11, %add3A_1355 : vector<16xi32>
      %select_n3A_1357 = arith.select %lt3A_1353, %add3A_1356, %xor3A_11 : vector<16xi1>, vector<16xi32>
      %broadcast_in_dim3A_1358 = vector.shape_cast %select_n3A_1357 : vector<16xi32> to vector<16x1xi32>
      %gather3A_1359 = vector.shape_cast %broadcast_in_dim3A_1358 : vector<16x1xi32> to vector<16xi32>
      %gather3A_1360 = tpu.dynamic_gather %add3A_1084[%gather3A_1359] in [0] : vector<16xf32>, vector<16xi32> -> vector<16xf32>
      %add3A_1361 = arith.addf %add3A_1084, %gather3A_1360 : vector<16xf32>
      %select_n3A_1362 = arith.select %eq3A_24, %add3A_1350, %add3A_1361 : vector<16xi1>, vector<16xf32>
      %lt3A_1363 = arith.constant 0 : i32
      %lt3A_1364 = vector.broadcast %lt3A_1363 : i32 to vector<16xi32>
      %lt3A_1365 = arith.cmpi slt, %xor3A_11, %lt3A_1364 : vector<16xi32>
      %add3A_1366 = arith.constant 16 : i32
      %add3A_1367 = vector.broadcast %add3A_1366 : i32 to vector<16xi32>
      %add3A_1368 = arith.addi %xor3A_11, %add3A_1367 : vector<16xi32>
      %select_n3A_1369 = arith.select %lt3A_1365, %add3A_1368, %xor3A_11 : vector<16xi1>, vector<16xi32>
      %broadcast_in_dim3A_1370 = vector.shape_cast %select_n3A_1369 : vector<16xi32> to vector<16x1xi32>
      %gather3A_1371 = vector.shape_cast %broadcast_in_dim3A_1370 : vector<16x1xi32> to vector<16xi32>
      %gather3A_1372 = tpu.dynamic_gather %add3A_374[%gather3A_1371] in [0] : vector<16xf32>, vector<16xi32> -> vector<16xf32>
      %add3A_1373 = arith.addf %add3A_374, %gather3A_1372 : vector<16xf32>
      %lt3A_1374 = arith.constant 0 : i32
      %lt3A_1375 = vector.broadcast %lt3A_1374 : i32 to vector<16xi32>
      %lt3A_1376 = arith.cmpi slt, %xor3A_11, %lt3A_1375 : vector<16xi32>
      %add3A_1377 = arith.constant 16 : i32
      %add3A_1378 = vector.broadcast %add3A_1377 : i32 to vector<16xi32>
      %add3A_1379 = arith.addi %xor3A_11, %add3A_1378 : vector<16xi32>
      %select_n3A_1380 = arith.select %lt3A_1376, %add3A_1379, %xor3A_11 : vector<16xi1>, vector<16xi32>
      %broadcast_in_dim3A_1381 = vector.shape_cast %select_n3A_1380 : vector<16xi32> to vector<16x1xi32>
      %gather3A_1382 = vector.shape_cast %broadcast_in_dim3A_1381 : vector<16x1xi32> to vector<16xi32>
      %gather3A_1383 = tpu.dynamic_gather %add3A_942[%gather3A_1382] in [0] : vector<16xf32>, vector<16xi32> -> vector<16xf32>
      %add3A_1384 = arith.addf %add3A_942, %gather3A_1383 : vector<16xf32>
      %select_n3A_1385 = arith.select %eq3A_24, %add3A_1373, %add3A_1384 : vector<16xi1>, vector<16xf32>
      %lt3A_1386 = arith.constant 0 : i32
      %lt3A_1387 = vector.broadcast %lt3A_1386 : i32 to vector<16xi32>
      %lt3A_1388 = arith.cmpi slt, %xor3A_11, %lt3A_1387 : vector<16xi32>
      %add3A_1389 = arith.constant 16 : i32
      %add3A_1390 = vector.broadcast %add3A_1389 : i32 to vector<16xi32>
      %add3A_1391 = arith.addi %xor3A_11, %add3A_1390 : vector<16xi32>
      %select_n3A_1392 = arith.select %lt3A_1388, %add3A_1391, %xor3A_11 : vector<16xi1>, vector<16xi32>
      %broadcast_in_dim3A_1393 = vector.shape_cast %select_n3A_1392 : vector<16xi32> to vector<16x1xi32>
      %gather3A_1394 = vector.shape_cast %broadcast_in_dim3A_1393 : vector<16x1xi32> to vector<16xi32>
      %gather3A_1395 = tpu.dynamic_gather %add3A_658[%gather3A_1394] in [0] : vector<16xf32>, vector<16xi32> -> vector<16xf32>
      %add3A_1396 = arith.addf %add3A_658, %gather3A_1395 : vector<16xf32>
      %lt3A_1397 = arith.constant 0 : i32
      %lt3A_1398 = vector.broadcast %lt3A_1397 : i32 to vector<16xi32>
      %lt3A_1399 = arith.cmpi slt, %xor3A_11, %lt3A_1398 : vector<16xi32>
      %add3A_1400 = arith.constant 16 : i32
      %add3A_1401 = vector.broadcast %add3A_1400 : i32 to vector<16xi32>
      %add3A_1402 = arith.addi %xor3A_11, %add3A_1401 : vector<16xi32>
      %select_n3A_1403 = arith.select %lt3A_1399, %add3A_1402, %xor3A_11 : vector<16xi1>, vector<16xi32>
      %broadcast_in_dim3A_1404 = vector.shape_cast %select_n3A_1403 : vector<16xi32> to vector<16x1xi32>
      %gather3A_1405 = vector.shape_cast %broadcast_in_dim3A_1404 : vector<16x1xi32> to vector<16xi32>
      %gather3A_1406 = tpu.dynamic_gather %add3A_1226[%gather3A_1405] in [0] : vector<16xf32>, vector<16xi32> -> vector<16xf32>
      %add3A_1407 = arith.addf %add3A_1226, %gather3A_1406 : vector<16xf32>
      %select_n3A_1408 = arith.select %eq3A_24, %add3A_1396, %add3A_1407 : vector<16xi1>, vector<16xf32>
      %lt3A_1409 = arith.constant 0 : i32
      %lt3A_1410 = vector.broadcast %lt3A_1409 : i32 to vector<16xi32>
      %lt3A_1411 = arith.cmpi slt, %xor3A_14, %lt3A_1410 : vector<16xi32>
      %add3A_1412 = arith.constant 16 : i32
      %add3A_1413 = vector.broadcast %add3A_1412 : i32 to vector<16xi32>
      %add3A_1414 = arith.addi %xor3A_14, %add3A_1413 : vector<16xi32>
      %select_n3A_1415 = arith.select %lt3A_1411, %add3A_1414, %xor3A_14 : vector<16xi1>, vector<16xi32>
      %broadcast_in_dim3A_1416 = vector.shape_cast %select_n3A_1415 : vector<16xi32> to vector<16x1xi32>
      %gather3A_1417 = vector.shape_cast %broadcast_in_dim3A_1416 : vector<16x1xi32> to vector<16xi32>
      %gather3A_1418 = tpu.dynamic_gather %select_n3A_1247[%gather3A_1417] in [0] : vector<16xf32>, vector<16xi32> -> vector<16xf32>
      %add3A_1419 = arith.addf %select_n3A_1247, %gather3A_1418 : vector<16xf32>
      %lt3A_1420 = arith.constant 0 : i32
      %lt3A_1421 = vector.broadcast %lt3A_1420 : i32 to vector<16xi32>
      %lt3A_1422 = arith.cmpi slt, %xor3A_14, %lt3A_1421 : vector<16xi32>
      %add3A_1423 = arith.constant 16 : i32
      %add3A_1424 = vector.broadcast %add3A_1423 : i32 to vector<16xi32>
      %add3A_1425 = arith.addi %xor3A_14, %add3A_1424 : vector<16xi32>
      %select_n3A_1426 = arith.select %lt3A_1422, %add3A_1425, %xor3A_14 : vector<16xi1>, vector<16xi32>
      %broadcast_in_dim3A_1427 = vector.shape_cast %select_n3A_1426 : vector<16xi32> to vector<16x1xi32>
      %gather3A_1428 = vector.shape_cast %broadcast_in_dim3A_1427 : vector<16x1xi32> to vector<16xi32>
      %gather3A_1429 = tpu.dynamic_gather %select_n3A_1270[%gather3A_1428] in [0] : vector<16xf32>, vector<16xi32> -> vector<16xf32>
      %add3A_1430 = arith.addf %select_n3A_1270, %gather3A_1429 : vector<16xf32>
      %select_n3A_1431 = arith.select %eq3A_30, %add3A_1419, %add3A_1430 : vector<16xi1>, vector<16xf32>
      %lt3A_1432 = arith.constant 0 : i32
      %lt3A_1433 = vector.broadcast %lt3A_1432 : i32 to vector<16xi32>
      %lt3A_1434 = arith.cmpi slt, %xor3A_14, %lt3A_1433 : vector<16xi32>
      %add3A_1435 = arith.constant 16 : i32
      %add3A_1436 = vector.broadcast %add3A_1435 : i32 to vector<16xi32>
      %add3A_1437 = arith.addi %xor3A_14, %add3A_1436 : vector<16xi32>
      %select_n3A_1438 = arith.select %lt3A_1434, %add3A_1437, %xor3A_14 : vector<16xi1>, vector<16xi32>
      %broadcast_in_dim3A_1439 = vector.shape_cast %select_n3A_1438 : vector<16xi32> to vector<16x1xi32>
      %gather3A_1440 = vector.shape_cast %broadcast_in_dim3A_1439 : vector<16x1xi32> to vector<16xi32>
      %gather3A_1441 = tpu.dynamic_gather %select_n3A_1293[%gather3A_1440] in [0] : vector<16xf32>, vector<16xi32> -> vector<16xf32>
      %add3A_1442 = arith.addf %select_n3A_1293, %gather3A_1441 : vector<16xf32>
      %lt3A_1443 = arith.constant 0 : i32
      %lt3A_1444 = vector.broadcast %lt3A_1443 : i32 to vector<16xi32>
      %lt3A_1445 = arith.cmpi slt, %xor3A_14, %lt3A_1444 : vector<16xi32>
      %add3A_1446 = arith.constant 16 : i32
      %add3A_1447 = vector.broadcast %add3A_1446 : i32 to vector<16xi32>
      %add3A_1448 = arith.addi %xor3A_14, %add3A_1447 : vector<16xi32>
      %select_n3A_1449 = arith.select %lt3A_1445, %add3A_1448, %xor3A_14 : vector<16xi1>, vector<16xi32>
      %broadcast_in_dim3A_1450 = vector.shape_cast %select_n3A_1449 : vector<16xi32> to vector<16x1xi32>
      %gather3A_1451 = vector.shape_cast %broadcast_in_dim3A_1450 : vector<16x1xi32> to vector<16xi32>
      %gather3A_1452 = tpu.dynamic_gather %select_n3A_1316[%gather3A_1451] in [0] : vector<16xf32>, vector<16xi32> -> vector<16xf32>
      %add3A_1453 = arith.addf %select_n3A_1316, %gather3A_1452 : vector<16xf32>
      %select_n3A_1454 = arith.select %eq3A_30, %add3A_1442, %add3A_1453 : vector<16xi1>, vector<16xf32>
      %lt3A_1455 = arith.constant 0 : i32
      %lt3A_1456 = vector.broadcast %lt3A_1455 : i32 to vector<16xi32>
      %lt3A_1457 = arith.cmpi slt, %xor3A_14, %lt3A_1456 : vector<16xi32>
      %add3A_1458 = arith.constant 16 : i32
      %add3A_1459 = vector.broadcast %add3A_1458 : i32 to vector<16xi32>
      %add3A_1460 = arith.addi %xor3A_14, %add3A_1459 : vector<16xi32>
      %select_n3A_1461 = arith.select %lt3A_1457, %add3A_1460, %xor3A_14 : vector<16xi1>, vector<16xi32>
      %broadcast_in_dim3A_1462 = vector.shape_cast %select_n3A_1461 : vector<16xi32> to vector<16x1xi32>
      %gather3A_1463 = vector.shape_cast %broadcast_in_dim3A_1462 : vector<16x1xi32> to vector<16xi32>
      %gather3A_1464 = tpu.dynamic_gather %select_n3A_1339[%gather3A_1463] in [0] : vector<16xf32>, vector<16xi32> -> vector<16xf32>
      %add3A_1465 = arith.addf %select_n3A_1339, %gather3A_1464 : vector<16xf32>
      %lt3A_1466 = arith.constant 0 : i32
      %lt3A_1467 = vector.broadcast %lt3A_1466 : i32 to vector<16xi32>
      %lt3A_1468 = arith.cmpi slt, %xor3A_14, %lt3A_1467 : vector<16xi32>
      %add3A_1469 = arith.constant 16 : i32
      %add3A_1470 = vector.broadcast %add3A_1469 : i32 to vector<16xi32>
      %add3A_1471 = arith.addi %xor3A_14, %add3A_1470 : vector<16xi32>
      %select_n3A_1472 = arith.select %lt3A_1468, %add3A_1471, %xor3A_14 : vector<16xi1>, vector<16xi32>
      %broadcast_in_dim3A_1473 = vector.shape_cast %select_n3A_1472 : vector<16xi32> to vector<16x1xi32>
      %gather3A_1474 = vector.shape_cast %broadcast_in_dim3A_1473 : vector<16x1xi32> to vector<16xi32>
      %gather3A_1475 = tpu.dynamic_gather %select_n3A_1362[%gather3A_1474] in [0] : vector<16xf32>, vector<16xi32> -> vector<16xf32>
      %add3A_1476 = arith.addf %select_n3A_1362, %gather3A_1475 : vector<16xf32>
      %select_n3A_1477 = arith.select %eq3A_30, %add3A_1465, %add3A_1476 : vector<16xi1>, vector<16xf32>
      %lt3A_1478 = arith.constant 0 : i32
      %lt3A_1479 = vector.broadcast %lt3A_1478 : i32 to vector<16xi32>
      %lt3A_1480 = arith.cmpi slt, %xor3A_14, %lt3A_1479 : vector<16xi32>
      %add3A_1481 = arith.constant 16 : i32
      %add3A_1482 = vector.broadcast %add3A_1481 : i32 to vector<16xi32>
      %add3A_1483 = arith.addi %xor3A_14, %add3A_1482 : vector<16xi32>
      %select_n3A_1484 = arith.select %lt3A_1480, %add3A_1483, %xor3A_14 : vector<16xi1>, vector<16xi32>
      %broadcast_in_dim3A_1485 = vector.shape_cast %select_n3A_1484 : vector<16xi32> to vector<16x1xi32>
      %gather3A_1486 = vector.shape_cast %broadcast_in_dim3A_1485 : vector<16x1xi32> to vector<16xi32>
      %gather3A_1487 = tpu.dynamic_gather %select_n3A_1385[%gather3A_1486] in [0] : vector<16xf32>, vector<16xi32> -> vector<16xf32>
      %add3A_1488 = arith.addf %select_n3A_1385, %gather3A_1487 : vector<16xf32>
      %lt3A_1489 = arith.constant 0 : i32
      %lt3A_1490 = vector.broadcast %lt3A_1489 : i32 to vector<16xi32>
      %lt3A_1491 = arith.cmpi slt, %xor3A_14, %lt3A_1490 : vector<16xi32>
      %add3A_1492 = arith.constant 16 : i32
      %add3A_1493 = vector.broadcast %add3A_1492 : i32 to vector<16xi32>
      %add3A_1494 = arith.addi %xor3A_14, %add3A_1493 : vector<16xi32>
      %select_n3A_1495 = arith.select %lt3A_1491, %add3A_1494, %xor3A_14 : vector<16xi1>, vector<16xi32>
      %broadcast_in_dim3A_1496 = vector.shape_cast %select_n3A_1495 : vector<16xi32> to vector<16x1xi32>
      %gather3A_1497 = vector.shape_cast %broadcast_in_dim3A_1496 : vector<16x1xi32> to vector<16xi32>
      %gather3A_1498 = tpu.dynamic_gather %select_n3A_1408[%gather3A_1497] in [0] : vector<16xf32>, vector<16xi32> -> vector<16xf32>
      %add3A_1499 = arith.addf %select_n3A_1408, %gather3A_1498 : vector<16xf32>
      %select_n3A_1500 = arith.select %eq3A_30, %add3A_1488, %add3A_1499 : vector<16xi1>, vector<16xf32>
      %lt3A_1501 = arith.constant 0 : i32
      %lt3A_1502 = vector.broadcast %lt3A_1501 : i32 to vector<16xi32>
      %lt3A_1503 = arith.cmpi slt, %xor3A_17, %lt3A_1502 : vector<16xi32>
      %add3A_1504 = arith.constant 16 : i32
      %add3A_1505 = vector.broadcast %add3A_1504 : i32 to vector<16xi32>
      %add3A_1506 = arith.addi %xor3A_17, %add3A_1505 : vector<16xi32>
      %select_n3A_1507 = arith.select %lt3A_1503, %add3A_1506, %xor3A_17 : vector<16xi1>, vector<16xi32>
      %broadcast_in_dim3A_1508 = vector.shape_cast %select_n3A_1507 : vector<16xi32> to vector<16x1xi32>
      %gather3A_1509 = vector.shape_cast %broadcast_in_dim3A_1508 : vector<16x1xi32> to vector<16xi32>
      %gather3A_1510 = tpu.dynamic_gather %select_n3A_1431[%gather3A_1509] in [0] : vector<16xf32>, vector<16xi32> -> vector<16xf32>
      %add3A_1511 = arith.addf %select_n3A_1431, %gather3A_1510 : vector<16xf32>
      %lt3A_1512 = arith.constant 0 : i32
      %lt3A_1513 = vector.broadcast %lt3A_1512 : i32 to vector<16xi32>
      %lt3A_1514 = arith.cmpi slt, %xor3A_17, %lt3A_1513 : vector<16xi32>
      %add3A_1515 = arith.constant 16 : i32
      %add3A_1516 = vector.broadcast %add3A_1515 : i32 to vector<16xi32>
      %add3A_1517 = arith.addi %xor3A_17, %add3A_1516 : vector<16xi32>
      %select_n3A_1518 = arith.select %lt3A_1514, %add3A_1517, %xor3A_17 : vector<16xi1>, vector<16xi32>
      %broadcast_in_dim3A_1519 = vector.shape_cast %select_n3A_1518 : vector<16xi32> to vector<16x1xi32>
      %gather3A_1520 = vector.shape_cast %broadcast_in_dim3A_1519 : vector<16x1xi32> to vector<16xi32>
      %gather3A_1521 = tpu.dynamic_gather %select_n3A_1454[%gather3A_1520] in [0] : vector<16xf32>, vector<16xi32> -> vector<16xf32>
      %add3A_1522 = arith.addf %select_n3A_1454, %gather3A_1521 : vector<16xf32>
      %select_n3A_1523 = arith.select %eq3A_36, %add3A_1511, %add3A_1522 : vector<16xi1>, vector<16xf32>
      %lt3A_1524 = arith.constant 0 : i32
      %lt3A_1525 = vector.broadcast %lt3A_1524 : i32 to vector<16xi32>
      %lt3A_1526 = arith.cmpi slt, %xor3A_17, %lt3A_1525 : vector<16xi32>
      %add3A_1527 = arith.constant 16 : i32
      %add3A_1528 = vector.broadcast %add3A_1527 : i32 to vector<16xi32>
      %add3A_1529 = arith.addi %xor3A_17, %add3A_1528 : vector<16xi32>
      %select_n3A_1530 = arith.select %lt3A_1526, %add3A_1529, %xor3A_17 : vector<16xi1>, vector<16xi32>
      %broadcast_in_dim3A_1531 = vector.shape_cast %select_n3A_1530 : vector<16xi32> to vector<16x1xi32>
      %gather3A_1532 = vector.shape_cast %broadcast_in_dim3A_1531 : vector<16x1xi32> to vector<16xi32>
      %gather3A_1533 = tpu.dynamic_gather %select_n3A_1477[%gather3A_1532] in [0] : vector<16xf32>, vector<16xi32> -> vector<16xf32>
      %add3A_1534 = arith.addf %select_n3A_1477, %gather3A_1533 : vector<16xf32>
      %lt3A_1535 = arith.constant 0 : i32
      %lt3A_1536 = vector.broadcast %lt3A_1535 : i32 to vector<16xi32>
      %lt3A_1537 = arith.cmpi slt, %xor3A_17, %lt3A_1536 : vector<16xi32>
      %add3A_1538 = arith.constant 16 : i32
      %add3A_1539 = vector.broadcast %add3A_1538 : i32 to vector<16xi32>
      %add3A_1540 = arith.addi %xor3A_17, %add3A_1539 : vector<16xi32>
      %select_n3A_1541 = arith.select %lt3A_1537, %add3A_1540, %xor3A_17 : vector<16xi1>, vector<16xi32>
      %broadcast_in_dim3A_1542 = vector.shape_cast %select_n3A_1541 : vector<16xi32> to vector<16x1xi32>
      %gather3A_1543 = vector.shape_cast %broadcast_in_dim3A_1542 : vector<16x1xi32> to vector<16xi32>
      %gather3A_1544 = tpu.dynamic_gather %select_n3A_1500[%gather3A_1543] in [0] : vector<16xf32>, vector<16xi32> -> vector<16xf32>
      %add3A_1545 = arith.addf %select_n3A_1500, %gather3A_1544 : vector<16xf32>
      %select_n3A_1546 = arith.select %eq3A_36, %add3A_1534, %add3A_1545 : vector<16xi1>, vector<16xf32>
      %lt3A_1547 = arith.constant 0 : i32
      %lt3A_1548 = vector.broadcast %lt3A_1547 : i32 to vector<16xi32>
      %lt3A_1549 = arith.cmpi slt, %xor3A_20, %lt3A_1548 : vector<16xi32>
      %add3A_1550 = arith.constant 16 : i32
      %add3A_1551 = vector.broadcast %add3A_1550 : i32 to vector<16xi32>
      %add3A_1552 = arith.addi %xor3A_20, %add3A_1551 : vector<16xi32>
      %select_n3A_1553 = arith.select %lt3A_1549, %add3A_1552, %xor3A_20 : vector<16xi1>, vector<16xi32>
      %broadcast_in_dim3A_1554 = vector.shape_cast %select_n3A_1553 : vector<16xi32> to vector<16x1xi32>
      %gather3A_1555 = vector.shape_cast %broadcast_in_dim3A_1554 : vector<16x1xi32> to vector<16xi32>
      %gather3A_1556 = tpu.dynamic_gather %select_n3A_1523[%gather3A_1555] in [0] : vector<16xf32>, vector<16xi32> -> vector<16xf32>
      %add3A_1557 = arith.addf %select_n3A_1523, %gather3A_1556 : vector<16xf32>
      %lt3A_1558 = arith.constant 0 : i32
      %lt3A_1559 = vector.broadcast %lt3A_1558 : i32 to vector<16xi32>
      %lt3A_1560 = arith.cmpi slt, %xor3A_20, %lt3A_1559 : vector<16xi32>
      %add3A_1561 = arith.constant 16 : i32
      %add3A_1562 = vector.broadcast %add3A_1561 : i32 to vector<16xi32>
      %add3A_1563 = arith.addi %xor3A_20, %add3A_1562 : vector<16xi32>
      %select_n3A_1564 = arith.select %lt3A_1560, %add3A_1563, %xor3A_20 : vector<16xi1>, vector<16xi32>
      %broadcast_in_dim3A_1565 = vector.shape_cast %select_n3A_1564 : vector<16xi32> to vector<16x1xi32>
      %gather3A_1566 = vector.shape_cast %broadcast_in_dim3A_1565 : vector<16x1xi32> to vector<16xi32>
      %gather3A_1567 = tpu.dynamic_gather %select_n3A_1546[%gather3A_1566] in [0] : vector<16xf32>, vector<16xi32> -> vector<16xf32>
      %add3A_1568 = arith.addf %select_n3A_1546, %gather3A_1567 : vector<16xf32>
      %select_n3A_1569 = arith.select %eq3A_42, %add3A_1557, %add3A_1568 : vector<16xi1>, vector<16xf32>
      %add3A_1570 = arith.addf %select_n3A_1569, %get3A_9 : vector<16xf32>
      %swap3A = arith.index_cast %mul3A_94 : i32 to index
      %swap3A_1571 = tpu.vector_load %arg9[%swap3A] {strides = array<i32>} : memref<128xf32, #tpu.memory_space<vmem>>, vector<16xf32>,
      %swap3A_1572 = vector.shape_cast %swap3A_1571 : vector<16xf32> to vector<16xf32>
      %swap3A_1573 = vector.shape_cast %add3A_1570 : vector<16xf32> to vector<16xf32>
      tpu.vector_store %arg9[%swap3A], %swap3A_1573 {strides = array<i32>} : memref<128xf32, #tpu.memory_space<vmem>>, vector<16xf32>,
    }
    %scan3A_85 = arith.constant 8 : i32
    %mul3A_86 = arith.constant 128 : i32
    %mul3A_87 = arith.muli %add3A, %mul3A_86 : i32
    %dma_start3A_88 = tpu.memref_slice %arg5[%mul3A_87] : memref<4096xf32, #tpu.memory_space<hbm>> -> memref<128xf32, #tpu.memory_space<hbm>>
    %dma_start3A_89 = tpu.memref_slice %arg5[%mul3A_87] : memref<4096xf32, #tpu.memory_space<hbm>> -> memref<128xf32, #tpu.memory_space<hbm>>
    tpu.enqueue_dma source(%arg9 : memref<128xf32, #tpu.memory_space<vmem>>) target(%dma_start3A_89 : memref<128xf32, #tpu.memory_space<hbm>>) target_semaphore(%arg11 : memref<!tpu.dma_semaphore, #tpu.memory_space<semaphore_mem>>)
    %dma_wait3A_90 = tpu.memref_slice %arg5[%mul3A_87] : memref<4096xf32, #tpu.memory_space<hbm>> -> memref<128xf32, #tpu.memory_space<hbm>>
    %dma_wait3A_91 = tpu.memref_slice %arg5[%mul3A_87] : memref<4096xf32, #tpu.memory_space<hbm>> -> memref<128xf32, #tpu.memory_space<hbm>>
    tpu.wait_dma2 semaphore(%arg11 : memref<!tpu.dma_semaphore, #tpu.memory_space<semaphore_mem>>) src(%arg9 : memref<128xf32, #tpu.memory_space<vmem>>) dst(%dma_wait3A_91 : memref<128xf32, #tpu.memory_space<hbm>>)
    return
  }
}

module attributes {stable_mosaic.version = 14 : i64} {
  func.func @_tc_body(%arg0: i32, %arg1: memref<104x3584xf32, #tpu.memory_space<vmem>>, %arg2: memref<104x3584xf32, #tpu.memory_space<vmem>>, %arg3: memref<104x3584xf32, #tpu.memory_space<vmem>>, %arg4: memref<104x3584xf32, #tpu.memory_space<vmem>>, %arg5: memref<104x1xf32, #tpu.memory_space<vmem>>, %arg6: memref<1xf32, #tpu.memory_space<smem>>, %arg7: memref<4x3584xf32, #tpu.memory_space<vmem>>) attributes {dimension_semantics = [#tpu.dimension_semantics<arbitrary>], iteration_bounds = array<i64: 2>, scalar_prefetch = 0 : i64, scratch_operands = 0 : i64, tpu.core_type = #tpu.core_type<tc>, window_params = [{transform_indices = @transform_0, window_bounds = array<i64: 104, 3584>}, {transform_indices = @transform_1, window_bounds = array<i64: 104, 3584>}, {transform_indices = @transform_2, window_bounds = array<i64: 104, 3584>}, {transform_indices = @transform_3, window_bounds = array<i64: 104, 3584>}, {pipeline_mode = #tpu.pipeline_mode<synchronous>, transform_indices = @transform_4, window_bounds = array<i64: 104, 1>}, {transform_indices = @transform_5, window_bounds = array<i64: 1>}, {transform_indices = @transform_6, window_bounds = array<i64: 4, 3584>}]} {
    %get3A = arith.constant 0 : index
    %get3A_0 = arith.constant 0 : index
    %get3A_1 = vector.load %arg5[%get3A, %get3A_0] : memref<104x1xf32, #tpu.memory_space<vmem>>, vector<104x1xf32>
    %get3A_2 = arith.constant 0 : index
    %get3A_3 = memref.load %arg6[%get3A_2] : memref<1xf32, #tpu.memory_space<smem>>
    %get3A_4 = arith.constant 0 : index
    %get3A_5 = arith.constant 0 : index
    %get3A_6 = vector.load %arg1[%get3A_4, %get3A_5] : memref<104x3584xf32, #tpu.memory_space<vmem>>, vector<104x3584xf32>
    %mul3A = vector.broadcast %get3A_1 : vector<104x1xf32> to vector<104x3584xf32>
    %mul3A_7 = arith.mulf %get3A_6, %mul3A : vector<104x3584xf32>
    %ne3A = arith.cmpf one, %mul3A_7, %mul3A_7 : vector<104x3584xf32>
    %jit3A = arith.constant 0.000000e+00 : f32
    %broadcast_in_dim3A = vector.broadcast %jit3A : f32 to vector<104x3584xf32>
    %select_n3A = arith.select %ne3A, %broadcast_in_dim3A, %mul3A_7 : vector<104x3584xi1>, vector<104x3584xf32>
    %reduce_sum3A = arith.constant dense<0.000000e+00> : vector<3584xf32>
    %reduce_sum3A_8 = vector.multi_reduction <add>, %select_n3A, %reduce_sum3A [0] : vector<104x3584xf32> to vector<3584xf32>
    %add3A = vector.broadcast %get3A_3 : f32 to vector<3584xf32>
    %add3A_9 = arith.addf %reduce_sum3A_8, %add3A : vector<3584xf32>
    %swap3A = arith.constant 0 : index
    %swap3A_10 = arith.constant 0 : index
    %swap3A_11 = vector.load %arg7[%swap3A, %swap3A_10] : memref<4x3584xf32, #tpu.memory_space<vmem>>, vector<1x3584xf32>
    %swap3A_12 = vector.shape_cast %swap3A_11 : vector<1x3584xf32> to vector<3584xf32>
    %swap3A_13 = vector.shape_cast %add3A_9 : vector<3584xf32> to vector<1x3584xf32>
    tpu.vector_store %arg7[%swap3A, %swap3A_10], %swap3A_13 {strides = array<i32>} : memref<4x3584xf32, #tpu.memory_space<vmem>>, vector<1x3584xf32>,
    %get3A_14 = arith.constant 0 : index
    %get3A_15 = arith.constant 0 : index
    %get3A_16 = vector.load %arg2[%get3A_14, %get3A_15] : memref<104x3584xf32, #tpu.memory_space<vmem>>, vector<104x3584xf32>
    %mul3A_17 = vector.broadcast %get3A_1 : vector<104x1xf32> to vector<104x3584xf32>
    %mul3A_18 = arith.mulf %get3A_16, %mul3A_17 : vector<104x3584xf32>
    %ne3A_19 = arith.cmpf one, %mul3A_18, %mul3A_18 : vector<104x3584xf32>
    %jit3A_20 = arith.constant 0.000000e+00 : f32
    %broadcast_in_dim3A_21 = vector.broadcast %jit3A_20 : f32 to vector<104x3584xf32>
    %select_n3A_22 = arith.select %ne3A_19, %broadcast_in_dim3A_21, %mul3A_18 : vector<104x3584xi1>, vector<104x3584xf32>
    %reduce_sum3A_23 = arith.constant dense<0.000000e+00> : vector<3584xf32>
    %reduce_sum3A_24 = vector.multi_reduction <add>, %select_n3A_22, %reduce_sum3A_23 [0] : vector<104x3584xf32> to vector<3584xf32>
    %add3A_25 = vector.broadcast %get3A_3 : f32 to vector<3584xf32>
    %add3A_26 = arith.addf %reduce_sum3A_24, %add3A_25 : vector<3584xf32>
    %swap3A_27 = arith.constant 1 : index
    %swap3A_28 = arith.constant 0 : index
    %swap3A_29 = vector.load %arg7[%swap3A_27, %swap3A_28] : memref<4x3584xf32, #tpu.memory_space<vmem>>, vector<1x3584xf32>
    %swap3A_30 = vector.shape_cast %swap3A_29 : vector<1x3584xf32> to vector<3584xf32>
    %swap3A_31 = vector.shape_cast %add3A_26 : vector<3584xf32> to vector<1x3584xf32>
    tpu.vector_store %arg7[%swap3A_27, %swap3A_28], %swap3A_31 {strides = array<i32>} : memref<4x3584xf32, #tpu.memory_space<vmem>>, vector<1x3584xf32>,
    %get3A_32 = arith.constant 0 : index
    %get3A_33 = arith.constant 0 : index
    %get3A_34 = vector.load %arg3[%get3A_32, %get3A_33] : memref<104x3584xf32, #tpu.memory_space<vmem>>, vector<104x3584xf32>
    %mul3A_35 = vector.broadcast %get3A_1 : vector<104x1xf32> to vector<104x3584xf32>
    %mul3A_36 = arith.mulf %get3A_34, %mul3A_35 : vector<104x3584xf32>
    %ne3A_37 = arith.cmpf one, %mul3A_36, %mul3A_36 : vector<104x3584xf32>
    %jit3A_38 = arith.constant 0.000000e+00 : f32
    %broadcast_in_dim3A_39 = vector.broadcast %jit3A_38 : f32 to vector<104x3584xf32>
    %select_n3A_40 = arith.select %ne3A_37, %broadcast_in_dim3A_39, %mul3A_36 : vector<104x3584xi1>, vector<104x3584xf32>
    %reduce_sum3A_41 = arith.constant dense<0.000000e+00> : vector<3584xf32>
    %reduce_sum3A_42 = vector.multi_reduction <add>, %select_n3A_40, %reduce_sum3A_41 [0] : vector<104x3584xf32> to vector<3584xf32>
    %add3A_43 = vector.broadcast %get3A_3 : f32 to vector<3584xf32>
    %add3A_44 = arith.addf %reduce_sum3A_42, %add3A_43 : vector<3584xf32>
    %swap3A_45 = arith.constant 2 : index
    %swap3A_46 = arith.constant 0 : index
    %swap3A_47 = vector.load %arg7[%swap3A_45, %swap3A_46] : memref<4x3584xf32, #tpu.memory_space<vmem>>, vector<1x3584xf32>
    %swap3A_48 = vector.shape_cast %swap3A_47 : vector<1x3584xf32> to vector<3584xf32>
    %swap3A_49 = vector.shape_cast %add3A_44 : vector<3584xf32> to vector<1x3584xf32>
    tpu.vector_store %arg7[%swap3A_45, %swap3A_46], %swap3A_49 {strides = array<i32>} : memref<4x3584xf32, #tpu.memory_space<vmem>>, vector<1x3584xf32>,
    %get3A_50 = arith.constant 0 : index
    %get3A_51 = arith.constant 0 : index
    %get3A_52 = vector.load %arg4[%get3A_50, %get3A_51] : memref<104x3584xf32, #tpu.memory_space<vmem>>, vector<104x3584xf32>
    %mul3A_53 = vector.broadcast %get3A_1 : vector<104x1xf32> to vector<104x3584xf32>
    %mul3A_54 = arith.mulf %get3A_52, %mul3A_53 : vector<104x3584xf32>
    %ne3A_55 = arith.cmpf one, %mul3A_54, %mul3A_54 : vector<104x3584xf32>
    %jit3A_56 = arith.constant 0.000000e+00 : f32
    %broadcast_in_dim3A_57 = vector.broadcast %jit3A_56 : f32 to vector<104x3584xf32>
    %select_n3A_58 = arith.select %ne3A_55, %broadcast_in_dim3A_57, %mul3A_54 : vector<104x3584xi1>, vector<104x3584xf32>
    %reduce_sum3A_59 = arith.constant dense<0.000000e+00> : vector<3584xf32>
    %reduce_sum3A_60 = vector.multi_reduction <add>, %select_n3A_58, %reduce_sum3A_59 [0] : vector<104x3584xf32> to vector<3584xf32>
    %add3A_61 = vector.broadcast %get3A_3 : f32 to vector<3584xf32>
    %add3A_62 = arith.addf %reduce_sum3A_60, %add3A_61 : vector<3584xf32>
    %swap3A_63 = arith.constant 3 : index
    %swap3A_64 = arith.constant 0 : index
    %swap3A_65 = vector.load %arg7[%swap3A_63, %swap3A_64] : memref<4x3584xf32, #tpu.memory_space<vmem>>, vector<1x3584xf32>
    %swap3A_66 = vector.shape_cast %swap3A_65 : vector<1x3584xf32> to vector<3584xf32>
    %swap3A_67 = vector.shape_cast %add3A_62 : vector<3584xf32> to vector<1x3584xf32>
    tpu.vector_store %arg7[%swap3A_63, %swap3A_64], %swap3A_67 {strides = array<i32>} : memref<4x3584xf32, #tpu.memory_space<vmem>>, vector<1x3584xf32>,
    return
  }
  func.func @transform_0(%arg0: i32) -> (i32, i32) {
    %add3A = arith.constant 0 : i32
    %add3A_0 = arith.addi %add3A, %arg0 : i32
    %c0_i32 = arith.constant 0 : i32
    %c0_i32_1 = arith.constant 0 : i32
    return %c0_i32, %add3A_0 : i32, i32
  }
  func.func @transform_1(%arg0: i32) -> (i32, i32) {
    %add3A = arith.constant 2 : i32
    %add3A_0 = arith.addi %add3A, %arg0 : i32
    %c0_i32 = arith.constant 0 : i32
    %c0_i32_1 = arith.constant 0 : i32
    return %c0_i32, %add3A_0 : i32, i32
  }
  func.func @transform_2(%arg0: i32) -> (i32, i32) {
    %add3A = arith.constant 4 : i32
    %add3A_0 = arith.addi %add3A, %arg0 : i32
    %c0_i32 = arith.constant 0 : i32
    %c0_i32_1 = arith.constant 0 : i32
    return %c0_i32, %add3A_0 : i32, i32
  }
  func.func @transform_3(%arg0: i32) -> (i32, i32) {
    %add3A = arith.constant 6 : i32
    %add3A_0 = arith.addi %add3A, %arg0 : i32
    %c0_i32 = arith.constant 0 : i32
    %c0_i32_1 = arith.constant 0 : i32
    return %c0_i32, %add3A_0 : i32, i32
  }
  func.func @transform_4(%arg0: i32) -> (i32, i32) {
    %c0_i32 = arith.constant 0 : i32
    %c0_i32_0 = arith.constant 0 : i32
    %c0_i32_1 = arith.constant 0 : i32
    return %c0_i32, %c0_i32_0 : i32, i32
  }
  func.func @transform_5(%arg0: i32) -> i32 {
    %c0_i32 = arith.constant 0 : i32
    %c0_i32_0 = arith.constant 0 : i32
    return %c0_i32 : i32
  }
  func.func @transform_6(%arg0: i32) -> (i32, i32) {
    %c0_i32 = arith.constant 0 : i32
    %c0_i32_0 = arith.constant 0 : i32
    return %c0_i32, %arg0 : i32, i32
  }
}

</mosaic_0001>

<sc_bundles>
// kernel: kernel.4.cloned.1.call-start
scs
__scs_entry_jumppad:
0x0: {  	(pc) =	sbr.rel $0x88, $3  }
0x1: {  	(tag) =	ssettag $0x0;
	lr =	simm.s32 $0x1  }
0x2: {  	[smem:$0x3F9E] =	sst lr;
	_ =	strace $0xD0000000  }
0x3: {  	_ = 	snop  }
0x4: {  	_ = 	snop  }
0x5: {  	_ = 	snop  }
0x6: {  	_ = 	snop  }
0x7: {  	_ = 	snop  }
__scs_overlays_trampoline_lowered:
0x8: {  	[smem:$0x3FAD] =	sst s0  }
0x9: {  	[smem:$0x3FAE] =	sst s1  }
0xa: {  	[smem:$0x3FAF] =	sst s2  }
0xb: {  	[smem:$0x3FB0] =	sst s3  }
0xc: {  	[smem:$0x3FB1] =	sst s4  }
0xd: {  	[smem:$0x3FB2] =	sst s5  }
0xe: {  	[smem:$0x3FB3] =	sst s6  }
0xf: {  	[smem:$0x3FB4] =	sst s7  }
0x10: {  	[smem:$0x3FB5] =	sst s8  }
0x11: {  	[smem:$0x3FB6] =	sst s9;
	s0 =	simm.s32 @!p0 $0x0  }
0x12: {  	s1 =	sld [smem:$0x3F9C];
	s0 =	simm.s32 @p0 $0x1  }
0x13: {  	[smem:$0x3FB7] =	sst s0;
	s0 =	simm.s32 @!p1 $0x0  }
0x14: {  	s2 =	sld [smem:$0x3F9B];
	s0 =	simm.s32 @p1 $0x1  }
0x15: {  	[smem:$0x3FB8] =	sst s0;
	s0 =	simm.s32 @!p2 $0x0  }
0x16: {  	s3 =	sld [smem:$0x3FDB];
	s0 =	simm.s32 @p2 $0x1  }
0x17: {  	s4 =	simm.s32 $0x1BF5;
	[smem:$0x3FBA] =	sst s0  }
0x18: {  	s0 =	sld [smem:$0x3F9D];
	_ =	swait.ge [sflag:s4], $0x0  }
0x19: {  	s7 =	sld [smem:$0x3F9E]  }
0x1a: {  	s8 =	sadd.s32 $0xFFFFE003, lr  }
0x1b: {  	s9 =	sadd.s32 $0xFFFFFEF7, lr;
	s5 =	simm.s32 $0xFFFFFFFF;
	p2 =	slt.u32 s8, $0xFFFFF086  }
0x1c: {  	p1 =	slt.u32 s9, $0xF7A;
	s5 =	simm.s32 @!p2 $0x0  }
0x1d: {  	s5 =	simm.s32 @p1 $0x1;
	p0 =	seq.s32 s7, s2  }
0x1e: {  	s7 =	smul.u32 @!p0 $0xF7A, s2;
	p2 =	seq.s32 @!p0 s5, $0x0  }
0x1f: {  	s9 =	smul.u32 $0xF7A, s1;
	s8 =	simm.s32 @!p0 $0x1BF5;
	p2 =	por !p2, p0  }
0x20: {  	[sflag:s8] =	ssyncset.s32 @!p0 $0xFFFFF086;
	s6 =	sadd.s32 @!p0 s3, s7;
	s7 =	simm.s32 @!p0 $0x108  }
0x21: {  	s3 =	sadd.s32 s3, s9;
	s6 =	sadd.s32 @!p0 $0x88, s6;
	s7 =	simm.s32 @p2 $0x1082  }
0x22: {  	[simem:s7], [sflag:s8] =	dma.local @!p0 [hbm:s6], $0xF7A  }
0x23: {  	s9 =	sor.u32 $0xD0000000, s2;
	s6 =	simm.s32 $0x108;
	_ =	swait.ge @!p0 [sflag:s8], $0x0  }
0x24: {  	s3 =	sadd.s32 $0x88, s3;
	s6 =	simm.s32 @!p1 $0x1082;
	[sflag:s4] =	ssyncset.s32 $0xFFFFF086  }
0x25: {  	[simem:s6], [sflag:s4] =	dma.local [hbm:s3], $0xF7A  }
0x26: {  	[smem:$0x3F9E] =	sst s1;
	(tag) =	ssettag s2;
	_ =	strace s9  }
0x27: {  	s1 =	sld [smem:$0x3FAE]  }
0x28: {  	s2 =	sld [smem:$0x3FAF]  }
0x29: {  	s4 =	sld [smem:$0x3FB1]  }
0x2a: {  	p0 =	seq.s32 s5, $0x0;
	s5 =	sld [smem:$0x3FB2]  }
0x2b: {  	s6 =	sld [smem:$0x3FB3]  }
0x2c: {  	s7 =	sld [smem:$0x3FB4]  }
0x2d: {  	s3 =	simm.s32 $0x108;
	s8 =	sld [smem:$0x3FB5]  }
0x2e: {  	s3 =	simm.s32 @!p0 $0x1082;
	s9 =	sld [smem:$0x3FB6]  }
0x2f: {  	lr =	sadd.s32 s0, s3;
	s0 =	sld [smem:$0x3FAD]  }
0x30: {  	s3 =	sld [smem:$0x3FB0]  }
0x31: {  	[smem:$0x3FB9] =	sst s10  }
0x32: {  	s10 =	sld [smem:$0x3FB7];
	_ =	sdelay $0x3  }
0x33: {  	p0 =	seq.s32 s10, $0x1;
	s10 =	sld [smem:$0x3FB9];
	_ =	sdelay $0x3  }
0x34: {  	[smem:$0x3FB9] =	sst s10  }
0x35: {  	s10 =	sld [smem:$0x3FB8];
	_ =	sdelay $0x3  }
0x36: {  	p1 =	seq.s32 s10, $0x1;
	s10 =	sld [smem:$0x3FB9];
	_ =	sdelay $0x3  }
0x37: {  	[smem:$0x3FB9] =	sst s10  }
0x38: {  	s10 =	sld [smem:$0x3FBA]  }
0x39: {  	_ = 	snop;
	(pc) =	sbr.ind lr, $3  }
0x3a: {  	_ = 	snop  }
0x3b: {  	_ = 	snop  }
0x3c: {  	p2 =	seq.s32 s10, $0x1;
	s10 =	sld [smem:$0x3FB9]  }
0x3d: {  	_ =	shalt  }
0x3e: {  	_ =	shalt  }
0x3f: {  	_ =	shalt  }
0x40: {  	_ =	shalt  }
0x41: {  	_ =	shalt  }
0x42: {  	_ =	shalt  }
0x43: {  	_ =	shalt  }
0x44: {  	_ =	shalt  }
0x45: {  	_ =	shalt  }
0x46: {  	_ =	shalt  }
0x47: {  	_ =	shalt  }
0x48: {  	_ =	shalt  }
0x49: {  	_ =	shalt  }
0x4a: {  	_ =	shalt  }
0x4b: {  	_ =	shalt  }
0x4c: {  	_ =	shalt  }
0x4d: {  	_ =	shalt  }
0x4e: {  	_ =	shalt  }
0x4f: {  	_ =	shalt  }
0x50: {  	_ =	shalt  }
0x51: {  	_ =	shalt  }
0x52: {  	_ =	shalt  }
0x53: {  	_ =	shalt  }
0x54: {  	_ =	shalt  }
0x55: {  	_ =	shalt  }
0x56: {  	_ =	shalt  }
0x57: {  	_ =	shalt  }
0x58: {  	_ =	shalt  }
0x59: {  	_ =	shalt  }
0x5a: {  	_ =	shalt  }
0x5b: {  	_ =	shalt  }
0x5c: {  	_ =	shalt  }
0x5d: {  	_ =	shalt  }
0x5e: {  	_ =	shalt  }
0x5f: {  	_ =	shalt  }
0x60: {  	_ =	shalt  }
0x61: {  	_ =	shalt  }
0x62: {  	_ =	shalt  }
0x63: {  	_ =	shalt  }
0x64: {  	_ =	shalt  }
0x65: {  	_ =	shalt  }
0x66: {  	_ =	shalt  }
0x67: {  	_ =	shalt  }
0x68: {  	_ =	shalt  }
0x69: {  	_ =	shalt  }
0x6a: {  	_ =	shalt  }
0x6b: {  	_ =	shalt  }
0x6c: {  	_ =	shalt  }
0x6d: {  	_ =	shalt  }
0x6e: {  	_ =	shalt  }
0x6f: {  	_ =	shalt  }
0x70: {  	_ =	shalt  }
0x71: {  	_ =	shalt  }
0x72: {  	_ =	shalt  }
0x73: {  	_ =	shalt  }
0x74: {  	_ =	shalt  }
0x75: {  	_ =	shalt  }
0x76: {  	_ =	shalt  }
0x77: {  	_ =	shalt  }
0x78: {  	_ =	shalt  }
0x79: {  	_ =	shalt  }
0x7a: {  	_ =	shalt  }
0x7b: {  	_ =	shalt  }
0x7c: {  	_ =	shalt  }
0x7d: {  	_ =	shalt  }
0x7e: {  	_ =	shalt  }
0x7f: {  	_ =	shalt  }
0x80: {  	_ =	shalt  }
0x81: {  	_ =	shalt  }
0x82: {  	_ =	shalt  }
0x83: {  	_ =	shalt  }
0x84: {  	_ =	shalt  }
0x85: {  	_ =	shalt  }
0x86: {  	_ =	shalt  }
0x87: {  	_ =	shalt  }
.Lfunc_end0:
.L_simem_size_0:
called_computation_lowered:
.L_overlay_start_0:
0x88: {  	s2 =	sld [smem:$0x3FD9]  }
0x89: {  	s3 =	sld [smem:$0x3FFE];
	_ =	sdelay $0x1  }
0x8a: {  	s1 =	srdreg.scid  }
0x8b: {  	s0 =	sand.u32 $0x1, s1  }
0x8c: {  	s17 =	sshll.u32 s0, $0xA;
	s2 =	sadd.s32 s3, s2  }
0x8d: {  	s2 =	sadd.s32 s2, s17  }
0x8e: {  	[smem:$0x3FC5] =	sst s2  }
0x8f: {  	_ = 	snop  }
0x90: {  	s2 =	sld [smem:$0x3FD0];
	(tm) =	ssettm $0x1  }
0x91: {  	s18 =	sld [smem:$0x3FFB];
	_ =	sdelay $0x3  }
0x92: {  	_ =	strace s18  }
0x93: {  	s3 =	sld [smem:$0x3FFC];
	_ =	sdelay $0x3  }
0x94: {  	_ =	strace s3  }
0x95: {  	s3 =	sld [smem:$0x3FFD];
	_ =	sdelay $0x3  }
0x96: {  	_ =	strace s3  }
0x97: {  	_ =	strace $0x8FFFFFFF  }
0x98: {  	s19 =	sld [smem:$0x3FDB];
	_ =	sdelay $0x1  }
0x99: {  	s4 =	simm.s32 $_scs_section_size  }
0x9a: {  	s5 =	simm.s32 $_size__tile_overlayer_lowered;
	s6 =	simm.s32 $_tile_overlayer_lowered  }
0x9b: {  	s22 =	simm.s32 $0x1BFF;
	s21 =	sshll.u32 s6, $0x1;
	s3 =	sadd.s32 s4, s19  }
0x9c: {  	s7 =	simm.s32 $0x0;
	s20 =	sshll.u32 s5, $0x1;
	s5 =	sadd.s32 s21, s3  }
0x9d: {  	[timem:s7], [sflag:s22] =	dma.local [hbm:s5], s20  }
0x9e: {  	_ =	swait.ge [sflag:s22], s20  }
0x9f: {  	s4 =	ssub.s32 $0x0, s20;
	[sflag:s22] =	ssyncset.done $0x0  }
0xa0: {  	[sflag:s22] =	ssyncadd.s32 s4;
	_ =	sdelay $0x1  }
0xa1: {  	s23 =	simm.s32 $0x1B8B  }
0xa2: {  	_ =	swait.ge [sflag:s23], $0x1  }
0xa3: {  	[sflag:s23] =	ssyncset.done $0x0  }
0xa4: {  	s25 =	simm.s32 $0x1B8E;
	s24 =	sld [smem:$0x3FFE];
	[sflag:s23] =	ssyncadd.s32 $0xFFFFFFFF  }
0xa5: {  	s26 =	simm.s32 $execute0_lowered;
	[smem:$0x3FD2] =	sst s25  }
0xa6: {  	s5 =	sshll.u32 s26, $0x1;
	_ =	strace $0x80000046;
	[dreg:$0x1] =	wrdreg $0xFFFFFFFF  }
0xa7: {  	s28 =	simm.s32 $_size_execute0_lowered;
	s3 =	sadd.s32 s3, s5;
	[dreg:$0x0] =	wrdreg $0x0  }
0xa8: {  	s5 =	sshll.u32 s28, $0x1;
	[dreg:$0x2] =	wrdreg s3  }
0xa9: {  	[dreg:$0x3] =	wrdreg s5  }
0xaa: {  	[dreg:$0x4] =	wrdreg $0xC0  }
0xab: {  	_ =	task [dreg:s7], $0x5FFFF  }
0xac: {  	[dreg:$0x1] =	wrdreg $0xFFFFFFFF  }
0xad: {  	[dreg:$0x0] =	wrdreg $0x60  }
0xae: {  	[dreg:$0x2] =	wrdreg s24  }
0xaf: {  	[dreg:$0x3] =	wrdreg s2  }
0xb0: {  	[dreg:$0x4] =	wrdreg $0x9  }
0xb1: {  	_ =	task.clear_ibuf [dreg:s7], $0x5FFFF;
	_ =	strace $0x90000046  }
0xb2: {  	s29 =	simm.s32 $0x9;
	_ =	strace $0x80000048  }
0xb3: {  	_ =	swait.ge [sflag:s29], $0x1  }
0xb4: {  	[sflag:s29] =	ssyncadd.s32 $0xFFFFFFFF  }
0xb5: {  	_ =	strace $0x90000048  }
0xb6: {  	_ =	sfence  }
0xb7: {  	s30 =	sld [smem:$0x0];
	_ =	sdelay $0x2  }
0xb8: {  	s31 =	sshll.u32 s1, $0xD;
	s1 =	sshrl.u32 s1, $0x2  }
0xb9: {  	s3 =	sand.u32 $0x4000, s31;
	s1 =	sadd.s32 s1, s30  }
0xba: {  	s0 =	sor.u32 s3, s0;
	s1 =	sshll.u32 s1, $0x11  }
0xbb: {  	s0 =	sor.u32 s1, s0  }
0xbc: {  	s0 =	sadd.s32 $0x8F2B, s0  }
0xbd: {  	[sflag:s0] =	ssyncadd.remote.s32 $0x1  }
0xbe: {  	_ =	sfence.sel $0xFFFF  }
0xbf: {  	[dreg:$0x0] =	wrdreg $0xFFFFFFFF;
	(pc) =	sbr.abs _section_cstart, $3  }
0xc0: {  	[dreg:$0x1] =	wrdreg $0xFFFFFFFF  }
0xc1: {  	_ =	task.clear_ibuf [dreg:s7], $0x2FFFF;
	_ =	strace $0x9FFFFFFF  }
0xc2: {  	(tm) =	ssettm $0x7FFFFFFF  }
0xc3: {  	_ =	shalt  }
tec
execute0_lowered:
.L_overlay_start_1:
0x0: {  	(tag) =	ssettag $0x1  }
0x1: {  	v0 =	vimm.s32 $0x76543210;
	v1 =	vimm.s32 $0xFEDCBA98;
	v2 =	vimm.s32 $0xBA98FEDC  }
0x2: {  	v3 =	vimm.s32 $0x32107654;
	v4 =	vimm.s32 $0xDCFE98BA;
	v5 =	vimm.s32 $0x54761032  }
0x3: {  	vm0 =	vcmask $0x2F20;
	vm1 =	vcmask $0xF00;
	vm2 =	vcmask $0x1710  }
0x4: {  	vm3 =	vcmask $0x700;
	vm4 =	vcmask $0x300;
	v1 =	vunpack.c.l.s4.s8 v1  }
0x5: {  	v0 =	vunpack.c.l.s4.s8 v0;
	v2 =	vunpack.c.l.s4.s8 v2;
	v3 =	vunpack.c.l.s4.s8 v3  }
0x6: {  	v4 =	vunpack.c.l.s4.s8 v4;
	vm0 =	vmor vm1, vm0;
	v1 =	vunpack.c.0.s8.s32 v1  }
0x7: {  	v0 =	vunpack.c.0.s8.s32 v0;
	v2 =	vunpack.c.0.s8.s32 v2;
	v3 =	vunpack.c.0.s8.s32 v3  }
0x8: {  	vm1 =	vmor vm3, vm2;
	vm3 =	vcmask $0xB08;
	v1 =	vand.u32 $0xF, v1  }
0x9: {  	v0 =	vcombine.low v1, v0;
	v1 =	vcombine.low v3, v2;
	v2 =	vunpack.c.l.s4.s8 v5  }
0xa: {  	s1 =	srdreg.scid;
	vm2 =	vcmask $0x2720;
	vm3 =	vmor vm4, vm3  }
0xb: {  	s5 =	rddreg [dreg:$0x0];
	s0 =	stileid.u32;
	vm4 =	vcmask $0x1310;
	v3 =	vunpack.c.0.s8.s32 v4;
	v2 =	vunpack.c.0.s8.s32 v2  }
0xc: {  	s2 =	rddreg [dreg:$0x1];
	s3 =	simm.s32 $0x0;
	s10 =	simm.s32 $0x4400;
	vm1 =	vmor vm1, vm2;
	vm2 =	vcmask $0x3730;
	vm3 =	vmor vm3, vm4  }
0xd: {  	s11 =	simm.s32 $0x1;
	s12 =	simm.s32 $0x4480;
	s13 =	simm.s32 $0x2;
	v4 =	vimm.s32 $0x67452301;
	v2 =	vcombine.low v2, v3;
	v3 =	vimm.s32 $0xEFCDAB89  }
0xe: {  	s14 =	simm.s32 $0x0;
	s4 =	sand.u32 $0x1, s1;
	s1 =	rddreg [dreg:$0x2];
	vm4 =	vcmask $0x1B18;
	v4 =	vunpack.c.l.s4.s8 v4;
	v3 =	vunpack.c.l.s4.s8 v3  }
0xf: {  	s6 =	sshll.u32 s0, $0x8;
	[smem:$0x7FF] =	sst s3;
	s7 =	sshll.u32 s4, $0x7;
	vm1 =	vmor vm1, vm2;
	vm2 =	vmor vm3, vm4  }
0x10: {  	_ =	strace $0x80000047;
	s8 =	ssub.s32 $0x2, s4;
	s6 =	sor.u32 s7, s6;
	vm3 =	vcmask $0x2320;
	v4 =	vunpack.c.0.s8.s32 v4;
	v3 =	vunpack.c.0.s8.s32 v3  }
0x11: {  	s4 =	sadd.s32 $0x81A00, s5;
	s9 =	sshrl.u32 s8, $0x1;
	s7 =	sshll.u32 s6, $0x4;
	vm4 =	vcmask $0x2B28;
	vm3 =	vmor vm2, vm3;
	vm2 =	vmmov $0xff  }
0x12: {  	s6 =	sshrl.u32 s6, $0x3;
	s8 =	ssub.s32 s8, s9;
	s7 =	sadd.s32 s7, s5;
	vm3 =	vmor vm3, vm4;
	vm4 =	vcmask $0x3330;
	v3 =	vcombine.low v4, v3  }
0x13: {  	s9 =	simm.s32 $0x3;
	s6 =	sadd.s32 s6, s5;
	s5 =	sadd.s32 $0x71A00, s7;
	vm3 =	vmor vm3, vm4;
	vm4 =	vcmask $0x3B38;
	v1 =	vand.u32 $0xF, v1  }
0x14: {  	s6 =	sadd.s32 $0x81C00, s6;
	s7 =	smax.u32 s8, $0x1;
	s8 =	simm.s32 $0x4000;
	vm3 =	vmor vm3, vm4;
	v2 =	vand.u32 $0xF, v2;
	v3 =	vand.u32 $0xF, v3  }
.LBB2_1:
0x15: {  	[tilespmem:s3], [sflag:$0x1] =	stream.linear.gather [hbm4b:s5+s3], $0x4000, $0x38;
	[tilespmem:$0x4500] =	vst v63  }
0x16: {  	_ = 	snop  }
0x17: {  	[tilespmem:s8], [sflag:$0x3] =	stream.linear.gather [hbm4b:s2+s3], $0x380, $0x38;
	[tilespmem:$0x4500] =	vst v63  }
0x18: {  	_ =	swait.ge [sflag:s9], $0x380  }
0x19: {  	[sflag:s9] =	ssyncset.done $0x0  }
0x1a: {  	[sflag:s9] =	ssyncadd.s32 $0xFFFFFC80  }
0x1b: {  	[tilespmem:s10], [sflag:$0x3] =	stream.linear.gather [hbm4b:s4+s3], $0x80, $0x38;
	[tilespmem:$0x4500] =	vst v63  }
0x1c: {  	_ =	swait.ge [sflag:s9], $0x80  }
0x1d: {  	[sflag:s9] =	ssyncset.done $0x0  }
0x1e: {  	[sflag:s9] =	ssyncadd.s32 $0xFFFFFF80  }
0x1f: {  	v4 =	vld [tilespmem:$0x4400]  }
0x20: {  	v10 =	vld [tilespmem:$0x4000]  }
0x21: {  	v11 =	vld [tilespmem:$0x4080]  }
0x22: {  	v9 =	vld [tilespmem:$0x4100]  }
0x23: {  	v8 =	vld [tilespmem:$0x4180]  }
0x24: {  	v7 =	vld [tilespmem:$0x4200]  }
0x25: {  	v6 =	vld [tilespmem:$0x4280];
	[tilespmem:$0x1FFF0] =	vst v4  }
0x26: {  	v5 =	vld [tilespmem:$0x4300];
	_ =	swait.ge [sflag:s11], $0x4000  }
0x27: {  	[sflag:s11] =	ssyncset.done $0x0  }
0x28: {  	s15 =	simm.s32 $0x400;
	[sflag:s11] =	ssyncadd.s32 $0xFFFFC000  }
0x29: {  	v12 =	vld [tilespmem:s15+$0xFFFFFC54]  }
0x2a: {  	v13 =	vld [tilespmem:s15+$0x54]  }
0x2b: {  	v14 =	vld [tilespmem:s15+$0xFFFFFE54]  }
0x2c: {  	v15 =	vld [tilespmem:s15+$0x254]  }
0x2d: {  	v16 =	vld [tilespmem:s15+$0xFFFFFD54]  }
0x2e: {  	v17 =	vld [tilespmem:s15+$0x154]  }
0x2f: {  	v18 =	vld [tilespmem:s15+$0xFFFFFF54]  }
0x30: {  	v19 =	vld [tilespmem:s15+$0x354]  }
0x31: {  	v20 =	vld [tilespmem:s15+$0xFFFFFCD4]  }
0x32: {  	v21 =	vld [tilespmem:s15+$0xD4]  }
0x33: {  	v22 =	vld [tilespmem:s15+$0xFFFFFED4]  }
0x34: {  	v30 =	vld [tilespmem:s15+$0x2D4]  }
0x35: {  	v31 =	vld [tilespmem:s15+$0xFFFFFDD4]  }
0x36: {  	v32 =	vld [tilespmem:s15+$0x1D4]  }
0x37: {  	v33 =	vld [tilespmem:s15+$0xFFFFFC50]  }
0x38: {  	v34 =	vld [tilespmem:s15+$0x50]  }
0x39: {  	v35 =	vld [tilespmem:s15+$0xFFFFFE50]  }
0x3a: {  	v36 =	vld [tilespmem:s15+$0x250]  }
0x3b: {  	v38 =	vld [tilespmem:s15+$0xFFFFFD50]  }
0x3c: {  	v39 =	vld [tilespmem:s15+$0x150]  }
0x3d: {  	v40 =	vld [tilespmem:s15+$0xFFFFFF50]  }
0x3e: {  	v41 =	vld [tilespmem:s15+$0x350]  }
0x3f: {  	v42 =	vld [tilespmem:s15+$0xFFFFFCD0]  }
0x40: {  	v43 =	vld [tilespmem:s15+$0xD0]  }
0x41: {  	v44 =	vld [tilespmem:s15+$0xFFFFFED0]  }
0x42: {  	v45 =	vld [tilespmem:s15+$0x2D0]  }
0x43: {  	v46 =	vld [tilespmem:s15+$0xFFFFFDD0]  }
0x44: {  	v47 =	vld [tilespmem:s15+$0x1D0]  }
0x45: {  	v48 =	vld [tilespmem:s15+$0xFFFFFC40]  }
0x46: {  	v49 =	vld [tilespmem:s15+$0x40]  }
0x47: {  	v50 =	vld [tilespmem:s15+$0xFFFFFE40]  }
0x48: {  	v51 =	vld [tilespmem:s15+$0x240]  }
0x49: {  	v52 =	vld [tilespmem:s15+$0xFFFFFD40]  }
0x4a: {  	v53 =	vld [tilespmem:s15+$0x140];
	v54 =	vmul.f32 v12, v5;
	v26 =	vmul.f32 v14, v5  }
0x4b: {  	v55 =	vld [tilespmem:s15+$0xFFFFFF40];
	v56 =	vmul.f32 v13, v5;
	v24 =	vmul.f32 v16, v5  }
0x4c: {  	v57 =	vld [tilespmem:s15+$0x340];
	v25 =	vmul.f32 v15, v5;
	v28 =	vmul.f32 v18, v5  }
0x4d: {  	v58 =	vld [tilespmem:s15+$0xFFFFFCC0];
	v37 =	vmul.f32 v17, v5;
	v27 =	vmul.f32 v20, v5  }
0x4e: {  	v59 =	vld [tilespmem:s15+$0xC0];
	v29 =	vmul.f32 v19, v5;
	v16 =	vmul.f32 v22, v5  }
0x4f: {  	v60 =	vld [tilespmem:s15+$0xFFFFFC30];
	v4 =	vmul.f32 v21, v5;
	v12 =	vmul.f32 v31, v5  }
0x50: {  	v20 =	vld [tilespmem:s15+$0xFFFFFEC0];
	v17 =	vmul.f32 v30, v5;
	v22 =	vmul.f32 v33, v6  }
0x51: {  	v14 =	vld [tilespmem:s15+$0xFFFFFC00];
	v13 =	vmul.f32 v32, v5;
	v61 =	vmul.f32 v35, v6  }
0x52: {  	v15 =	vld [tilespmem:s15+$0xFFFFFC10];
	v62 =	vmul.f32 v34, v6;
	v63 =	vmul.f32 v38, v6  }
0x53: {  	v19 =	vld [tilespmem:s15+$0xFFFFFC20];
	v30 =	vmul.f32 v36, v6;
	v32 =	vmul.f32 v40, v6  }
0x54: {  	v40 =	vmul.f32 v39, v6;
	v42 =	vmul.f32 v42, v6;
	v35 =	vld [tilespmem:s15+$0x0]  }
0x55: {  	v33 =	vmul.f32 v41, v6;
	v36 =	vld [tilespmem:s15+$0x10];
	v18 =	vmul.f32 v44, v6  }
0x56: {  	v21 =	vld [tilespmem:s15+$0x2C0];
	v31 =	vmul.f32 v43, v6;
	v60 =	vmul.f32 v60, v8  }
0x57: {  	v43 =	vld [tilespmem:s15+$0x20];
	v50 =	vmul.f32 v50, v7;
	v14 =	vmul.f32 v14, v10  }
0x58: {  	v34 =	vld [tilespmem:s15+$0x30];
	v15 =	vmul.f32 v15, v11;
	v39 =	vmul.f32 v19, v9  }
0x59: {  	v41 =	vld [tilespmem:s15+$0xFFFFFE30];
	v19 =	vmul.f32 v45, v6;
	v45 =	vmul.f32 v48, v7  }
0x5a: {  	v44 =	vld [tilespmem:s15+$0x230];
	v35 =	vmul.f32 v35, v10;
	v36 =	vmul.f32 v36, v11  }
0x5b: {  	v48 =	vld [tilespmem:s15+$0xFFFFFE00];
	v38 =	vadd.f32 v15, v14;
	v15 =	vmul.f32 v46, v6;
	v14 =	vmul.f32 v47, v6  }
0x5c: {  	v46 =	vld [tilespmem:s15+$0xFFFFFE20];
	v35 =	vadd.f32 v36, v35;
	v36 =	vmul.f32 v43, v9;
	v43 =	vmul.f32 v51, v7  }
0x5d: {  	v47 =	vld [tilespmem:s15+$0x220];
	v51 =	vmul.f32 v53, v7;
	v53 =	vmul.f32 v34, v8;
	v38 =	vadd.f32 v39, v38  }
0x5e: {  	v34 =	vmul.f32 v20, v7;
	v20 =	vmul.f32 v21, v7;
	v21 =	vld [tilespmem:s15+$0xFFFFFD30]  }
0x5f: {  	v36 =	vadd.f32 v36, v35;
	v35 =	vmul.f32 v58, v7;
	v58 =	vld [tilespmem:s15+$0xFFFFFD00];
	v38 =	vadd.f32 v60, v38  }
0x60: {  	v49 =	vmul.f32 v49, v7;
	v41 =	vmul.f32 v41, v8;
	v60 =	vld [tilespmem:s15+$0xFFFFFE10]  }
0x61: {  	v53 =	vadd.f32 v53, v36;
	v39 =	vadd.f32 v45, v38;
	v45 =	vmul.f32 v52, v7;
	v52 =	vld [tilespmem:s15+$0x200]  }
0x62: {  	v44 =	vmul.f32 v44, v8;
	v38 =	vmul.f32 v55, v7;
	v55 =	vld [tilespmem:s15+$0x210]  }
0x63: {  	v23 =	vmul.f32 v46, v9;
	v46 =	vadd.f32 v49, v53;
	v49 =	vld [tilespmem:s15+$0x110];
	v22 =	vadd.f32 v22, v39  }
0x64: {  	v48 =	vmul.f32 v48, v10;
	v39 =	vmul.f32 v57, v7;
	v57 =	vld [tilespmem:s15+$0xFFFFFD10]  }
0x65: {  	v36 =	vmul.f32 v59, v7;
	v60 =	vmul.f32 v60, v11;
	v22 =	vadd.f32 v54, v22;
	v54 =	vld [tilespmem:s15+$0x100]  }
0x66: {  	v47 =	vmul.f32 v47, v9;
	v21 =	vmul.f32 v21, v8;
	v53 =	vld [tilespmem:s15+$0xFFFFFD20];
	v46 =	vadd.f32 v62, v46  }
0x67: {  	v62 =	vld [tilespmem:s15+$0x120];
	v52 =	vmul.f32 v52, v10;
	v55 =	vmul.f32 v55, v11;
	v48 =	vadd.f32 v60, v48  }
0x68: {  	v46 =	vadd.f32 v56, v46;
	v56 =	vld [tilespmem:s15+$0x130];
	v49 =	vmul.f32 v49, v11;
	v59 =	vperm.xlane v22, v0  }
0x69: {  	v57 =	vmul.f32 v57, v11;
	v52 =	vadd.f32 v55, v52;
	v23 =	vadd.f32 v23, v48  }
0x6a: {  	v48 =	vld [tilespmem:s15+$0xFFFFFF30];
	v59 =	vadd.f32 v59, v22;
	v22 =	vmul.f32 v58, v10;
	v54 =	vmul.f32 v54, v10  }
0x6b: {  	v53 =	vmul.f32 v53, v9;
	v58 =	vld [tilespmem:s15+$0xFFFFFDC0];
	v47 =	vadd.f32 v47, v52;
	v23 =	vadd.f32 v41, v23  }
0x6c: {  	v60 =	vmul.f32 v62, v9;
	v41 =	vld [tilespmem:s15+$0xFFFFFF20];
	v22 =	vadd.f32 v57, v22;
	v49 =	vadd.f32 v49, v54  }
0x6d: {  	v62 =	vmul.f32 v56, v8;
	v57 =	vld [tilespmem:s15+$0x1C0];
	v44 =	vadd.f32 v44, v47;
	v23 =	vadd.f32 v50, v23  }
0x6e: {  	v52 =	vld [tilespmem:s15+$0x330];
	v56 =	vperm.xlane v46, v0;
	v22 =	vadd.f32 v53, v22;
	v49 =	vadd.f32 v60, v49  }
0x6f: {  	v48 =	vmul.f32 v48, v8;
	v53 =	vld [tilespmem:s15+$0xFFFFFC90];
	v43 =	vadd.f32 v43, v44;
	v23 =	vadd.f32 v61, v23  }
0x70: {  	v54 =	vadd.f32 v21, v22;
	v21 =	vmul.f32 v58, v7;
	v60 =	vadd.f32 v62, v49;
	v62 =	vld [tilespmem:s15+$0x320]  }
0x71: {  	v41 =	vmul.f32 v41, v9;
	v30 =	vadd.f32 v30, v43;
	v23 =	vadd.f32 v26, v23;
	v26 =	vld [tilespmem:s15+$0xFFFFFF10]  }
0x72: {  	v22 =	vmul.f32 v57, v7;
	v57 =	vld [tilespmem:s15+$0x310];
	v43 =	vadd.f32 v56, v46;
	v45 =	vadd.f32 v45, v54  }
0x73: {  	v47 =	vadd.f32 v51, v60;
	v51 =	vmul.f32 v52, v8;
	v52 =	vld [tilespmem:s15+$0xFFFFFF00];
	v25 =	vadd.f32 v25, v30  }
0x74: {  	v30 =	vld [tilespmem:s15+$0x300];
	v58 =	vperm.xlane v23, v0;
	v43 =	vsel vm2, v59, v43;
	v45 =	vadd.f32 v63, v45  }
0x75: {  	v55 =	vld [tilespmem:s15+$0xFFFFFC80];
	v53 =	vmul.f32 v53, v11;
	v63 =	vperm.xlane v43, v1;
	v40 =	vadd.f32 v40, v47  }
0x76: {  	v44 =	vld [tilespmem:s15+$0xB0];
	v60 =	vperm.xlane v25, v0;
	v23 =	vadd.f32 v58, v23;
	v24 =	vadd.f32 v24, v45  }
0x77: {  	v46 =	vld [tilespmem:s15+$0x80];
	v45 =	vmul.f32 v62, v9;
	v26 =	vmul.f32 v26, v11;
	v37 =	vadd.f32 v37, v40  }
0x78: {  	v50 =	vld [tilespmem:s15+$0xFFFFFCB0];
	v25 =	vadd.f32 v60, v25;
	v40 =	vmul.f32 v57, v11;
	v61 =	vperm.xlane v24, v0  }
0x79: {  	v49 =	vld [tilespmem:s15+$0xFFFFFDB0];
	v52 =	vmul.f32 v52, v10;
	v30 =	vmul.f32 v30, v10  }
0x7a: {  	v54 =	vld [tilespmem:s15+$0x2B0];
	v62 =	vperm.xlane v37, v0;
	v25 =	vsel vm2, v23, v25;
	v23 =	vadd.f32 v63, v43  }
0x7b: {  	v44 =	vmul.f32 v44, v8;
	v24 =	vadd.f32 v61, v24;
	v26 =	vadd.f32 v26, v52;
	v52 =	vld [tilespmem:s15+$0x90]  }
0x7c: {  	v46 =	vmul.f32 v46, v10;
	v60 =	vld [tilespmem:s15+$0xFFFFFCA0];
	v30 =	vadd.f32 v40, v30;
	v37 =	vadd.f32 v62, v37  }
0x7d: {  	v43 =	vmul.f32 v50, v8;
	v63 =	vmul.f32 v55, v10;
	v62 =	vld [tilespmem:s15+$0xA0];
	v26 =	vadd.f32 v41, v26  }
0x7e: {  	v58 =	vld [tilespmem:s15+$0xFFFFFE90];
	v30 =	vadd.f32 v45, v30;
	v37 =	vsel vm2, v24, v37;
	v24 =	vperm.xlane v25, v1  }
0x7f: {  	v47 =	vld [tilespmem:s15+$0xFFFFFEB0];
	v50 =	vmul.f32 v54, v8;
	v61 =	vperm.xlane v37, v1;
	v26 =	vadd.f32 v48, v26  }
0x80: {  	v45 =	vld [tilespmem:s15+$0x1B0];
	v30 =	vadd.f32 v51, v30;
	v24 =	vadd.f32 v24, v25;
	v55 =	vmul.f32 v52, v11  }
0x81: {  	v57 =	vmul.f32 v60, v9;
	v48 =	vld [tilespmem:s15+$0xFFFFFE80];
	v25 =	vadd.f32 v61, v37;
	v37 =	vadd.f32 v53, v63  }
0x82: {  	v60 =	vld [tilespmem:s15+$0x280];
	v26 =	vadd.f32 v38, v26;
	v41 =	vmul.f32 v62, v9;
	v59 =	vadd.f32 v55, v46  }
0x83: {  	v54 =	vmul.f32 v58, v11;
	v30 =	vadd.f32 v39, v30;
	v61 =	vld [tilespmem:s15+$0x290];
	v37 =	vadd.f32 v57, v37  }
0x84: {  	v39 =	vmul.f32 v47, v8;
	v62 =	vld [tilespmem:s15+$0xFFFFFEA0];
	v26 =	vadd.f32 v32, v26;
	v38 =	vadd.f32 v41, v59  }
0x85: {  	v30 =	vadd.f32 v33, v30;
	v32 =	vmul.f32 v49, v8;
	v49 =	vld [tilespmem:s15+$0x2A0];
	v63 =	vadd.f32 v43, v37  }
0x86: {  	v52 =	vld [tilespmem:s15+$0xFFFFFDA0];
	v53 =	vmul.f32 v48, v10;
	v26 =	vadd.f32 v28, v26;
	v38 =	vadd.f32 v44, v38  }
0x87: {  	v55 =	vmul.f32 v60, v10;
	v33 =	vld [tilespmem:s15+$0xFFFFFD80];
	v29 =	vadd.f32 v29, v30;
	v30 =	vadd.f32 v35, v63  }
0x88: {  	v37 =	vld [tilespmem:s15+$0xFFFFFF80];
	v40 =	vmul.f32 v61, v11;
	v41 =	vadd.f32 v54, v53;
	v36 =	vadd.f32 v36, v38  }
0x89: {  	v56 =	vmul.f32 v62, v9;
	v35 =	vld [tilespmem:s15+$0x1A0];
	v59 =	vperm.xlane v26, v0;
	v42 =	vadd.f32 v42, v30  }
0x8a: {  	v40 =	vadd.f32 v40, v55;
	v57 =	vmul.f32 v49, v9;
	v38 =	vld [tilespmem:s15+$0x190];
	v36 =	vadd.f32 v31, v36  }
0x8b: {  	v28 =	vmul.f32 v45, v8;
	v30 =	vld [tilespmem:s15+$0xFFFFFD90];
	v58 =	vadd.f32 v27, v42;
	v27 =	vadd.f32 v56, v41  }
0x8c: {  	v61 =	vperm.xlane v29, v0;
	v26 =	vadd.f32 v59, v26;
	v31 =	vld [tilespmem:s15+$0x180];
	v60 =	vadd.f32 v57, v40  }
0x8d: {  	v40 =	vld [tilespmem:s15+$0x380];
	v41 =	vadd.f32 v4, v36;
	v62 =	vadd.f32 v39, v27;
	v63 =	vperm.xlane v58, v0  }
0x8e: {  	v42 =	vadd.f32 v50, v60;
	v36 =	vmul.f32 v52, v9;
	v39 =	vld [tilespmem:s15+$0xFFFFFF90];
	v27 =	vadd.f32 v61, v29  }
0x8f: {  	s17 =	simm.s32 $0x40;
	s16 =	simm.s32 $0x0;
	v44 =	vperm.xlane v41, v0;
	v43 =	vadd.f32 v34, v62;
	v34 =	vld [tilespmem:s15+$0x390];
	v29 =	vadd.f32 v63, v58  }
.LBB2_2:
0x90: {  	_ = 	snop  }
0x91: {  	v45 =	vld [tilespmem:s15+$0xFFFFFFA0];
	v20 =	vadd.f32 v20, v42;
	v41 =	vadd.f32 v44, v41;
	v35 =	vmul.f32 v35, v9  }
0x92: {  	v50 =	vld [tilespmem:s15+$0x3A0];
	v18 =	vadd.f32 v18, v43;
	v33 =	vmul.f32 v33, v10;
	v30 =	vmul.f32 v30, v11  }
0x93: {  	v51 =	vld [tilespmem:s15+$0xFFFFFFB0];
	v19 =	vadd.f32 v19, v20;
	v31 =	vmul.f32 v31, v10;
	v38 =	vmul.f32 v38, v11  }
0x94: {  	v52 =	vld [tilespmem:s15+$0x3B0];
	v16 =	vadd.f32 v16, v18;
	v18 =	vmul.f32 v37, v10;
	v20 =	vmul.f32 v39, v11  }
0x95: {  	v53 =	vld [tilespmem:s15+$0xFFFFFFC0];
	v34 =	vmul.f32 v34, v11;
	v17 =	vadd.f32 v17, v19;
	v19 =	vmul.f32 v40, v10  }
0x96: {  	v55 =	vld [tilespmem:s15+$0x3C0];
	v54 =	vmul.f32 v45, v9;
	v30 =	vadd.f32 v30, v33;
	v31 =	vadd.f32 v38, v31  }
0x97: {  	v56 =	vmul.f32 v50, v9;
	v18 =	vadd.f32 v20, v18;
	v20 =	vld [tilespmem:s15+$0xFFFFFFD0];
	v19 =	vadd.f32 v34, v19  }
0x98: {  	v58 =	vld [tilespmem:s15+$0x3D0];
	v57 =	vmul.f32 v51, v8;
	v30 =	vadd.f32 v36, v30;
	v31 =	vadd.f32 v35, v31  }
0x99: {  	v59 =	vld [tilespmem:s15+$0xFFFFFFD4];
	v60 =	vmul.f32 v52, v8;
	v18 =	vadd.f32 v54, v18;
	v19 =	vadd.f32 v56, v19  }
0x9a: {  	v61 =	vmul.f32 v53, v7;
	v30 =	vadd.f32 v32, v30;
	v28 =	vadd.f32 v28, v31;
	v31 =	vld [tilespmem:s15+$0x3D4]  }
0x9b: {  	v62 =	vmul.f32 v55, v7;
	v18 =	vadd.f32 v57, v18;
	v19 =	vadd.f32 v60, v19  }
0x9c: {  	v20 =	vmul.f32 v20, v6;
	v21 =	vadd.f32 v21, v30;
	v22 =	vadd.f32 v22, v28  }
0x9d: {  	v18 =	vadd.f32 v61, v18;
	v28 =	vmul.f32 v58, v6;
	v19 =	vadd.f32 v62, v19  }
0x9e: {  	v15 =	vadd.f32 v15, v21;
	v21 =	vmul.f32 v59, v5;
	v14 =	vadd.f32 v14, v22  }
0x9f: {  	v18 =	vadd.f32 v20, v18;
	v19 =	vadd.f32 v28, v19;
	v20 =	vmul.f32 v31, v5  }
0xa0: {  	v12 =	vadd.f32 v12, v15;
	v13 =	vadd.f32 v13, v14;
	v14 =	vperm.xlane v16, v0  }
0xa1: {  	v15 =	vadd.f32 v21, v18;
	v18 =	vadd.f32 v20, v19;
	v19 =	vperm.xlane v17, v0  }
0xa2: {  	v14 =	vadd.f32 v14, v16;
	v16 =	vperm.xlane v12, v0;
	v20 =	vperm.xlane v13, v0  }
0xa3: {  	v17 =	vadd.f32 v19, v17;
	v19 =	vperm.xlane v15, v0;
	v21 =	vperm.xlane v18, v0  }
0xa4: {  	v22 =	vsel vm2, v26, v27;
	v12 =	vadd.f32 v16, v12;
	v13 =	vadd.f32 v20, v13  }
0xa5: {  	v16 =	vsel vm2, v29, v41;
	v15 =	vadd.f32 v19, v15;
	v18 =	vadd.f32 v21, v18  }
0xa6: {  	v14 =	vsel vm2, v14, v17;
	v17 =	vperm.xlane v22, v1;
	v19 =	vperm.xlane v16, v1  }
0xa7: {  	v12 =	vsel vm2, v12, v13;
	v13 =	vsel vm2, v15, v18;
	v15 =	vperm.xlane v14, v1  }
0xa8: {  	v17 =	vadd.f32 v17, v22;
	v18 =	vperm.xlane v12, v1;
	v20 =	vperm.xlane v13, v1  }
0xa9: {  	v16 =	vadd.f32 v19, v16;
	v14 =	vadd.f32 v15, v14  }
0xaa: {  	v15 =	vsel vm0, v23, v24;
	v12 =	vadd.f32 v18, v12;
	v13 =	vadd.f32 v20, v13  }
0xab: {  	v17 =	vsel vm0, v25, v17;
	v18 =	vperm.xlane v15, v2  }
0xac: {  	v14 =	vsel vm0, v16, v14;
	v12 =	vsel vm0, v12, v13;
	v13 =	vperm.xlane v17, v2  }
0xad: {  	v16 =	vperm.xlane v14, v2;
	v19 =	vperm.xlane v12, v2  }
0xae: {  	v15 =	vadd.f32 v18, v15;
	v13 =	vadd.f32 v13, v17  }
0xaf: {  	v14 =	vadd.f32 v16, v14;
	v12 =	vadd.f32 v19, v12;
	_ =	sdelay $0x1  }
0xb0: {  	v13 =	vsel vm1, v15, v13;
	v12 =	vsel vm1, v14, v12  }
0xb1: {  	v4 =	vld [tilespmem:$0x1FFF0];
	v14 =	vperm.xlane v13, v3;
	v15 =	vperm.xlane v12, v3;
	_ =	sdelay $0x1  }
0xb2: {  	v13 =	vadd.f32 v14, v13;
	v12 =	vadd.f32 v15, v12;
	_ =	sdelay $0x1  }
0xb3: {  	v12 =	vsel vm3, v13, v12  }
0xb4: {  	v12 =	vadd.f32 v12, v4  }
0xb5: {  	s18 =	sshra.s32 s16, $0x2  }
0xb6: {  	s15 =	sadd.s32 $0x800, s15;
	[tilespmem:s18+$0x4480] =	vst v12  }
0xb7: {  	v12 =	vld [tilespmem:s15+$0xFFFFFC54]  }
0xb8: {  	v13 =	vld [tilespmem:s15+$0x54]  }
0xb9: {  	v14 =	vld [tilespmem:s15+$0xFFFFFE54]  }
0xba: {  	v15 =	vld [tilespmem:s15+$0x254]  }
0xbb: {  	v16 =	vld [tilespmem:s15+$0xFFFFFD54]  }
0xbc: {  	v17 =	vld [tilespmem:s15+$0x154]  }
0xbd: {  	v18 =	vld [tilespmem:s15+$0xFFFFFF54]  }
0xbe: {  	v19 =	vld [tilespmem:s15+$0x354]  }
0xbf: {  	v20 =	vld [tilespmem:s15+$0xFFFFFCD4]  }
0xc0: {  	v21 =	vld [tilespmem:s15+$0xD4]  }
0xc1: {  	v22 =	vld [tilespmem:s15+$0xFFFFFED4]  }
0xc2: {  	v30 =	vld [tilespmem:s15+$0x2D4]  }
0xc3: {  	v31 =	vld [tilespmem:s15+$0xFFFFFDD4]  }
0xc4: {  	v32 =	vld [tilespmem:s15+$0x1D4]  }
0xc5: {  	v33 =	vld [tilespmem:s15+$0xFFFFFC50]  }
0xc6: {  	v34 =	vld [tilespmem:s15+$0x50]  }
0xc7: {  	v35 =	vld [tilespmem:s15+$0xFFFFFE50]  }
0xc8: {  	v36 =	vld [tilespmem:s15+$0x250]  }
0xc9: {  	v38 =	vld [tilespmem:s15+$0xFFFFFD50]  }
0xca: {  	v39 =	vld [tilespmem:s15+$0x150]  }
0xcb: {  	v40 =	vld [tilespmem:s15+$0xFFFFFF50]  }
0xcc: {  	v44 =	vld [tilespmem:s15+$0x350]  }
0xcd: {  	v45 =	vld [tilespmem:s15+$0xFFFFFCD0]  }
0xce: {  	v46 =	vld [tilespmem:s15+$0xD0]  }
0xcf: {  	v47 =	vld [tilespmem:s15+$0xFFFFFED0]  }
0xd0: {  	v48 =	vld [tilespmem:s15+$0x2D0]  }
0xd1: {  	v49 =	vld [tilespmem:s15+$0xFFFFFDD0]  }
0xd2: {  	v50 =	vld [tilespmem:s15+$0x1D0]  }
0xd3: {  	v51 =	vld [tilespmem:s15+$0xFFFFFC40]  }
0xd4: {  	v52 =	vld [tilespmem:s15+$0x40]  }
0xd5: {  	v53 =	vld [tilespmem:s15+$0xFFFFFE40]  }
0xd6: {  	v54 =	vld [tilespmem:s15+$0x240]  }
0xd7: {  	v55 =	vld [tilespmem:s15+$0xFFFFFD40]  }
0xd8: {  	v56 =	vld [tilespmem:s15+$0x140];
	v57 =	vmul.f32 v12, v5  }
0xd9: {  	v58 =	vld [tilespmem:s15+$0xFFFFFF40];
	v24 =	vmul.f32 v14, v5;
	v59 =	vmul.f32 v13, v5  }
0xda: {  	v60 =	vld [tilespmem:s15+$0x340];
	v23 =	vmul.f32 v16, v5;
	v37 =	vmul.f32 v15, v5  }
0xdb: {  	v61 =	vld [tilespmem:s15+$0xFFFFFCC0];
	v28 =	vmul.f32 v18, v5;
	v25 =	vmul.f32 v17, v5  }
0xdc: {  	v62 =	vld [tilespmem:s15+$0xC0];
	v27 =	vmul.f32 v20, v5;
	v29 =	vmul.f32 v19, v5  }
0xdd: {  	v63 =	vld [tilespmem:s15+$0xFFFFFC30];
	v16 =	vmul.f32 v22, v5;
	v26 =	vmul.f32 v21, v5  }
0xde: {  	v20 =	vld [tilespmem:s15+$0xFFFFFEC0];
	v12 =	vmul.f32 v31, v5;
	v17 =	vmul.f32 v30, v5  }
0xdf: {  	v14 =	vld [tilespmem:s15+$0xFFFFFC00];
	v22 =	vmul.f32 v33, v6;
	v13 =	vmul.f32 v32, v5  }
0xe0: {  	v15 =	vld [tilespmem:s15+$0xFFFFFC10];
	v43 =	vmul.f32 v35, v6;
	v4 =	vmul.f32 v34, v6  }
0xe1: {  	v21 =	vld [tilespmem:s15+$0x2C0];
	v42 =	vmul.f32 v38, v6;
	v41 =	vmul.f32 v36, v6  }
0xe2: {  	v19 =	vld [tilespmem:s15+$0xFFFFFC20];
	v32 =	vmul.f32 v40, v6;
	v40 =	vmul.f32 v39, v6  }
0xe3: {  	v30 =	vmul.f32 v45, v6;
	v35 =	vld [tilespmem:s15+$0x0];
	v18 =	vmul.f32 v47, v6  }
0xe4: {  	v36 =	vld [tilespmem:s15+$0x10];
	v47 =	vmul.f32 v51, v7;
	v51 =	vmul.f32 v53, v7  }
0xe5: {  	v53 =	vld [tilespmem:s15+$0xFFFFFE10];
	v14 =	vmul.f32 v14, v10;
	v15 =	vmul.f32 v15, v11  }
0xe6: {  	v33 =	vmul.f32 v44, v6;
	v31 =	vmul.f32 v46, v6;
	v45 =	vld [tilespmem:s15+$0x20]  }
0xe7: {  	v34 =	vld [tilespmem:s15+$0x30];
	v63 =	vmul.f32 v63, v8;
	v39 =	vmul.f32 v19, v9;
	v38 =	vadd.f32 v15, v14  }
0xe8: {  	v44 =	vld [tilespmem:s15+$0xFFFFFE30];
	v52 =	vmul.f32 v52, v7;
	v19 =	vmul.f32 v48, v6  }
0xe9: {  	v46 =	vld [tilespmem:s15+$0x230];
	v35 =	vmul.f32 v35, v10;
	v36 =	vmul.f32 v36, v11;
	v38 =	vadd.f32 v39, v38  }
0xea: {  	v53 =	vmul.f32 v53, v11;
	v14 =	vmul.f32 v50, v6;
	v50 =	vld [tilespmem:s15+$0xFFFFFE00]  }
0xeb: {  	v48 =	vld [tilespmem:s15+$0xFFFFFE20];
	v15 =	vmul.f32 v49, v6;
	v38 =	vadd.f32 v63, v38;
	v63 =	vmul.f32 v45, v9  }
0xec: {  	v49 =	vld [tilespmem:s15+$0x220];
	v35 =	vadd.f32 v36, v35;
	v45 =	vmul.f32 v54, v7;
	v54 =	vmul.f32 v56, v7  }
0xed: {  	v56 =	vmul.f32 v34, v8;
	v39 =	vadd.f32 v47, v38;
	v47 =	vmul.f32 v55, v7;
	v55 =	vld [tilespmem:s15+$0x200]  }
0xee: {  	v34 =	vmul.f32 v20, v7;
	v38 =	vmul.f32 v58, v7;
	v36 =	vadd.f32 v63, v35;
	v58 =	vld [tilespmem:s15+$0x210]  }
0xef: {  	v50 =	vmul.f32 v50, v10;
	v35 =	vmul.f32 v61, v7;
	v61 =	vld [tilespmem:s15+$0xFFFFFD00];
	v22 =	vadd.f32 v22, v39  }
0xf0: {  	v20 =	vmul.f32 v21, v7;
	v39 =	vmul.f32 v60, v7;
	v60 =	vld [tilespmem:s15+$0xFFFFFD10];
	v56 =	vadd.f32 v56, v36  }
0xf1: {  	v21 =	vmul.f32 v48, v9;
	v50 =	vadd.f32 v53, v50;
	v22 =	vadd.f32 v57, v22;
	v57 =	vld [tilespmem:s15+$0x100]  }
0xf2: {  	v44 =	vmul.f32 v44, v8;
	v46 =	vmul.f32 v46, v8;
	v48 =	vadd.f32 v52, v56;
	v52 =	vld [tilespmem:s15+$0x110]  }
0xf3: {  	v49 =	vmul.f32 v49, v9;
	v36 =	vmul.f32 v62, v7;
	v21 =	vadd.f32 v21, v50;
	v56 =	vld [tilespmem:s15+$0xFFFFFD20]  }
0xf4: {  	v55 =	vmul.f32 v55, v10;
	v62 =	vperm.xlane v22, v0;
	v4 =	vadd.f32 v4, v48;
	v48 =	vld [tilespmem:s15+$0x120]  }
0xf5: {  	v63 =	vld [tilespmem:s15+$0xFFFFFD30];
	v58 =	vmul.f32 v58, v11;
	v44 =	vadd.f32 v44, v21;
	v60 =	vmul.f32 v60, v11  }
0xf6: {  	v62 =	vadd.f32 v62, v22;
	v22 =	vmul.f32 v61, v10;
	v4 =	vadd.f32 v59, v4;
	v59 =	vld [tilespmem:s15+$0x130]  }
0xf7: {  	v50 =	vld [tilespmem:s15+$0xFFFFFF30];
	v53 =	vmul.f32 v57, v10;
	v52 =	vmul.f32 v52, v11  }
0xf8: {  	v55 =	vadd.f32 v58, v55;
	v44 =	vadd.f32 v51, v44;
	v61 =	vld [tilespmem:s15+$0xFFFFFDC0];
	v56 =	vmul.f32 v56, v9  }
0xf9: {  	v57 =	vld [tilespmem:s15+$0x1C0];
	v22 =	vadd.f32 v60, v22;
	v52 =	vadd.f32 v52, v53;
	v48 =	vmul.f32 v48, v9  }
0xfa: {  	v49 =	vadd.f32 v49, v55;
	v43 =	vadd.f32 v43, v44;
	v60 =	vmul.f32 v63, v8;
	v63 =	vld [tilespmem:s15+$0xFFFFFF20]  }
0xfb: {  	v44 =	vld [tilespmem:s15+$0xB0];
	v22 =	vadd.f32 v56, v22;
	v48 =	vadd.f32 v48, v52;
	v58 =	vmul.f32 v59, v8  }
0xfc: {  	v50 =	vmul.f32 v50, v8;
	v55 =	vld [tilespmem:s15+$0x330];
	v46 =	vadd.f32 v46, v49;
	v24 =	vadd.f32 v24, v43  }
0xfd: {  	v43 =	vld [tilespmem:s15+$0xFFFFFF10];
	v21 =	vmul.f32 v61, v7;
	v53 =	vadd.f32 v60, v22;
	v48 =	vadd.f32 v58, v48  }
0xfe: {  	v59 =	vld [tilespmem:s15+$0x320];
	v45 =	vadd.f32 v45, v46;
	v61 =	vperm.xlane v4, v0;
	v22 =	vmul.f32 v57, v7  }
0xff: {  	v52 =	vmul.f32 v63, v9;
	v63 =	vld [tilespmem:s15+$0x300];
	v47 =	vadd.f32 v47, v53;
	v60 =	vadd.f32 v54, v48  }
0x100: {  	v57 =	vld [tilespmem:s15+$0x310];
	v44 =	vmul.f32 v44, v8;
	v41 =	vadd.f32 v41, v45;
	v4 =	vadd.f32 v61, v4  }
0x101: {  	v58 =	vperm.xlane v24, v0;
	v42 =	vadd.f32 v42, v47;
	v47 =	vld [tilespmem:s15+$0xFFFFFF00];
	v40 =	vadd.f32 v40, v60  }
0x102: {  	v51 =	vld [tilespmem:s15+$0xFFFFFCB0];
	v43 =	vmul.f32 v43, v11;
	v48 =	vmul.f32 v55, v8;
	v37 =	vadd.f32 v37, v41  }
0x103: {  	v45 =	vld [tilespmem:s15+$0x80];
	v23 =	vadd.f32 v23, v42;
	v42 =	vmul.f32 v59, v9;
	v25 =	vadd.f32 v25, v40  }
0x104: {  	v46 =	vld [tilespmem:s15+$0xFFFFFEB0];
	v4 =	vsel vm2, v62, v4;
	v59 =	vperm.xlane v37, v0;
	v41 =	vmul.f32 v63, v10  }
0x105: {  	v53 =	vld [tilespmem:s15+$0xFFFFFC90];
	v24 =	vadd.f32 v58, v24;
	v60 =	vperm.xlane v23, v0;
	v61 =	vperm.xlane v25, v0  }
0x106: {  	v54 =	vld [tilespmem:s15+$0x2B0];
	v40 =	vmul.f32 v57, v11;
	v37 =	vadd.f32 v59, v37;
	v47 =	vmul.f32 v47, v10  }
0x107: {  	v55 =	vld [tilespmem:s15+$0xFFFFFC80];
	v62 =	vperm.xlane v4, v1;
	v23 =	vadd.f32 v60, v23;
	v25 =	vadd.f32 v61, v25  }
0x108: {  	v45 =	vmul.f32 v45, v10;
	v40 =	vadd.f32 v40, v41;
	v63 =	vadd.f32 v43, v47;
	v43 =	vld [tilespmem:s15+$0x90]  }
0x109: {  	v41 =	vmul.f32 v51, v8;
	v24 =	vsel vm2, v24, v37;
	v61 =	vld [tilespmem:s15+$0xFFFFFCA0];
	v25 =	vsel vm2, v23, v25  }
0x10a: {  	v40 =	vadd.f32 v42, v40;
	v23 =	vadd.f32 v62, v4;
	v62 =	vld [tilespmem:s15+$0xA0];
	v4 =	vperm.xlane v25, v1  }
0x10b: {  	v57 =	vld [tilespmem:s15+$0xFFFFFE90];
	v60 =	vperm.xlane v24, v1;
	v37 =	vadd.f32 v52, v63;
	v63 =	vmul.f32 v53, v11  }
0x10c: {  	v47 =	vld [tilespmem:s15+$0xFFFFFDB0];
	v40 =	vadd.f32 v48, v40;
	v25 =	vadd.f32 v4, v25;
	v4 =	vmul.f32 v55, v10  }
0x10d: {  	v24 =	vadd.f32 v60, v24;
	v60 =	vld [tilespmem:s15+$0x280];
	v37 =	vadd.f32 v50, v37;
	v43 =	vmul.f32 v43, v11  }
0x10e: {  	v52 =	vld [tilespmem:s15+$0x2A0];
	v39 =	vadd.f32 v39, v40;
	v56 =	vmul.f32 v61, v9;
	v4 =	vadd.f32 v63, v4  }
0x10f: {  	v55 =	vld [tilespmem:s15+$0xFFFFFE80];
	v37 =	vadd.f32 v38, v37;
	v58 =	vadd.f32 v43, v45;
	v59 =	vmul.f32 v62, v9  }
0x110: {  	v40 =	vmul.f32 v46, v8;
	v61 =	vld [tilespmem:s15+$0x290];
	v33 =	vadd.f32 v33, v39;
	v4 =	vadd.f32 v56, v4  }
0x111: {  	v62 =	vld [tilespmem:s15+$0xFFFFFEA0];
	v43 =	vmul.f32 v54, v8;
	v37 =	vadd.f32 v32, v37;
	v38 =	vadd.f32 v59, v58  }
0x112: {  	v50 =	vld [tilespmem:s15+$0x1B0];
	v32 =	vmul.f32 v47, v8;
	v29 =	vadd.f32 v29, v33;
	v4 =	vadd.f32 v41, v4  }
0x113: {  	v53 =	vld [tilespmem:s15+$0xFFFFFDA0];
	v56 =	vmul.f32 v60, v10;
	v58 =	vmul.f32 v52, v9;
	v38 =	vadd.f32 v44, v38  }
0x114: {  	v33 =	vld [tilespmem:s15+$0xFFFFFD80];
	v54 =	vmul.f32 v55, v10;
	v55 =	vmul.f32 v57, v11;
	v4 =	vadd.f32 v35, v4  }
0x115: {  	v63 =	vadd.f32 v28, v37;
	v42 =	vmul.f32 v61, v11;
	v37 =	vld [tilespmem:s15+$0xFFFFFF80];
	v36 =	vadd.f32 v36, v38  }
0x116: {  	v39 =	vadd.f32 v55, v54;
	v57 =	vmul.f32 v62, v9;
	v35 =	vld [tilespmem:s15+$0x1A0];
	v4 =	vadd.f32 v30, v4  }
0x117: {  	p0 =	sne.s32 s17, $0x1C0;
	v28 =	vmul.f32 v50, v8;
	v42 =	vadd.f32 v42, v56;
	v38 =	vld [tilespmem:s15+$0x190];
	v36 =	vadd.f32 v31, v36  }
.Ltmp0:
0x118: {  	v59 =	vperm.xlane v63, v0;
	v30 =	vld [tilespmem:s15+$0xFFFFFD90];
	v4 =	vadd.f32 v27, v4;
	v27 =	vadd.f32 v57, v39;
	(pc) =	sbr.rel @p0 .LBB2_2-.Ltmp0, $4  }
0x119: {  	v61 =	vperm.xlane v29, v0;
	v60 =	vadd.f32 v58, v42;
	v31 =	vld [tilespmem:s15+$0x180];
	v41 =	vadd.f32 v26, v36  }
0x11a: {  	v39 =	vld [tilespmem:s15+$0xFFFFFF90];
	v26 =	vadd.f32 v59, v63;
	v62 =	vadd.f32 v40, v27;
	v63 =	vperm.xlane v4, v0  }
0x11b: {  	v42 =	vadd.f32 v43, v60;
	v36 =	vmul.f32 v53, v9;
	v40 =	vld [tilespmem:s15+$0x380];
	v27 =	vadd.f32 v61, v29  }
0x11c: {  	s16 =	smov.u32 s17;
	s17 =	sadd.s32 $0x40, s17;
	v44 =	vperm.xlane v41, v0;
	v43 =	vadd.f32 v34, v62;
	v34 =	vld [tilespmem:s15+$0x390];
	v29 =	vadd.f32 v63, v4  }
0x11d: {  	v4 =	vld [tilespmem:s15+$0xFFFFFFA0];
	v20 =	vadd.f32 v20, v42;
	v33 =	vmul.f32 v33, v10;
	v30 =	vmul.f32 v30, v11  }
0x11e: {  	v63 =	vld [tilespmem:s15+$0x3A0];
	v38 =	vmul.f32 v38, v11;
	v46 =	vmul.f32 v37, v10;
	v18 =	vadd.f32 v18, v43  }
0x11f: {  	v45 =	vld [tilespmem:s15+$0xFFFFFFB0];
	v41 =	vadd.f32 v44, v41;
	v31 =	vmul.f32 v31, v10;
	v19 =	vadd.f32 v19, v20  }
0x120: {  	v48 =	vld [tilespmem:s15+$0x3B0];
	v47 =	vmul.f32 v39, v11;
	v52 =	vadd.f32 v30, v33;
	v16 =	vadd.f32 v16, v18  }
0x121: {  	v49 =	vld [tilespmem:s15+$0xFFFFFFC0];
	v50 =	vmul.f32 v40, v10;
	v53 =	vadd.f32 v38, v31;
	v51 =	vmul.f32 v34, v11  }
0x122: {  	v35 =	vmul.f32 v35, v9;
	v54 =	vld [tilespmem:s15+$0x3C0];
	v17 =	vadd.f32 v17, v19;
	v18 =	vadd.f32 v47, v46  }
0x123: {  	v55 =	vld [tilespmem:s15+$0xFFFFFFD0];
	v4 =	vmul.f32 v4, v9;
	v56 =	vmul.f32 v63, v9;
	v10 =	vadd.f32 v51, v50  }
0x124: {  	v59 =	vld [tilespmem:s15+$0x3D0];
	v57 =	vadd.f32 v36, v52;
	v58 =	vmul.f32 v45, v8;
	v30 =	vadd.f32 v35, v53  }
0x125: {  	v60 =	vld [tilespmem:s15+$0xFFFFFFD4];
	v61 =	vmul.f32 v48, v8;
	v4 =	vadd.f32 v4, v18;
	v9 =	vadd.f32 v56, v10  }
0x126: {  	v34 =	vld [tilespmem:s15+$0x3D4];
	v63 =	vmul.f32 v49, v7;
	v62 =	vadd.f32 v32, v57;
	v28 =	vadd.f32 v28, v30  }
0x127: {  	v35 =	vmul.f32 v54, v7;
	v4 =	vadd.f32 v58, v4;
	v8 =	vadd.f32 v61, v9  }
0x128: {  	v37 =	vmul.f32 v55, v6;
	v36 =	vadd.f32 v21, v62;
	v38 =	vadd.f32 v22, v28  }
0x129: {  	v39 =	vmul.f32 v59, v6;
	v4 =	vadd.f32 v63, v4;
	v7 =	vadd.f32 v35, v8  }
0x12a: {  	v42 =	vmul.f32 v60, v5;
	v40 =	vadd.f32 v15, v36;
	v43 =	vadd.f32 v14, v38  }
0x12b: {  	v5 =	vmul.f32 v34, v5;
	v4 =	vadd.f32 v37, v4;
	v6 =	vadd.f32 v39, v7  }
0x12c: {  	v46 =	vperm.xlane v16, v0;
	v44 =	vadd.f32 v12, v40;
	v45 =	vadd.f32 v13, v43  }
0x12d: {  	v47 =	vperm.xlane v17, v0;
	v4 =	vadd.f32 v42, v4;
	v5 =	vadd.f32 v5, v6  }
0x12e: {  	v48 =	vadd.f32 v46, v16;
	v49 =	vperm.xlane v44, v0;
	v11 =	vperm.xlane v45, v0  }
0x12f: {  	v6 =	vadd.f32 v47, v17;
	v50 =	vperm.xlane v4, v0;
	v51 =	vperm.xlane v5, v0  }
0x130: {  	v52 =	vsel vm2, v26, v27;
	v7 =	vadd.f32 v49, v44;
	v8 =	vadd.f32 v11, v45  }
0x131: {  	v53 =	vsel vm2, v29, v41;
	v4 =	vadd.f32 v50, v4;
	v5 =	vadd.f32 v51, v5  }
0x132: {  	v54 =	vperm.xlane v52, v1;
	v55 =	vperm.xlane v53, v1;
	v7 =	vsel vm2, v7, v8  }
0x133: {  	v6 =	vsel vm2, v48, v6;
	v57 =	vperm.xlane v7, v1;
	v4 =	vsel vm2, v4, v5  }
0x134: {  	v56 =	vadd.f32 v54, v52;
	v5 =	vperm.xlane v6, v1;
	v58 =	vperm.xlane v4, v1  }
0x135: {  	v10 =	vadd.f32 v55, v53;
	v7 =	vadd.f32 v57, v7  }
0x136: {  	v59 =	vsel vm0, v23, v24;
	v5 =	vadd.f32 v5, v6;
	v4 =	vadd.f32 v58, v4  }
0x137: {  	v60 =	vperm.xlane v59, v2;
	v8 =	vsel vm0, v25, v56  }
0x138: {  	v61 =	vperm.xlane v8, v2;
	v5 =	vsel vm0, v10, v5;
	v4 =	vsel vm0, v7, v4  }
0x139: {  	v10 =	vperm.xlane v5, v2;
	v62 =	vperm.xlane v4, v2  }
0x13a: {  	v6 =	vadd.f32 v60, v59;
	v7 =	vadd.f32 v61, v8  }
0x13b: {  	v5 =	vadd.f32 v10, v5;
	v4 =	vadd.f32 v62, v4;
	_ =	sdelay $0x1  }
0x13c: {  	v6 =	vsel vm1, v6, v7;
	v4 =	vsel vm1, v5, v4  }
0x13d: {  	v5 =	vperm.xlane v6, v3;
	v63 =	vperm.xlane v4, v3;
	_ =	sdelay $0x1  }
0x13e: {  	v5 =	vadd.f32 v5, v6;
	v4 =	vadd.f32 v63, v4;
	_ =	sdelay $0x1  }
0x13f: {  	v4 =	vsel vm3, v5, v4;
	v5 =	vld [tilespmem:$0x1FFF0];
	_ =	sdelay $0x4  }
0x140: {  	s14 =	sadd.s32 $0x1, s14;
	v4 =	vadd.f32 v4, v5  }
0x141: {  	s31 =	sshra.s32 s16, $0x2;
	p0 =	sne.s32 s14, s7  }
.Ltmp1:
0x142: {  	[tilespmem:s31+$0x4480] =	vst v4;
	(pc) =	sbr.rel @p0 .LBB2_1-.Ltmp1, $4  }
0x143: {  	[hbm4b:s6+s3] =	stream.linear.scatter [tilespmem:s12], [sflag:$0x2], $0x80, $0x38;
	[tilespmem:$0x4500] =	vst v63  }
0x144: {  	_ =	swait.ge [sflag:s13], $0x80  }
0x145: {  	[sflag:s13] =	ssyncset.done $0x0  }
0x146: {  	[sflag:s13] =	ssyncadd.s32 $0xFFFFFF80  }
0x147: {  	_ =	sfence.sel $0x180000  }
0x148: {  	[bflag:$0x0] =	sbarrier.arrive $0xFFFF  }
0x149: {  	p0 =	sne.s32 s0, $0x0;
	_ =	strace $0x90000047  }
0x14a: {  	s0 =	sadd.s32 @!p0 $0x100000, s1;
	[bflag:$0x2] =	sbarrier.arrive $0xFFFF  }
0x14b: {  	[sflag:s0] =	ssyncadd.tile.s32 @!p0 $0x1;
	_ =	shalt  }
.Lfunc_end2:
_tile_overlayer_lowered:
.L_overlay_start_2:
0x14c: {  	(tag) =	ssettag $0x2  }
0x14d: {  	s0 =	rddreg [dreg:$0x0];
	s2 =	stileid.u32  }
0x14e: {  	s1 =	rddreg [dreg:$0x1];
	p0 =	sne.s32 s2, $0x0  }
0x14f: {  	s3 =	rddreg [dreg:$0x2];
	[bflag:$0x3] =	sbarrier.arrive $0xFFFF;
	s2 =	simm.s32 @!p0 $0x1C03  }
0x150: {  	[timem:s3], [sflag:s2] =	dma.local @!p0 [hbm:s0], s1  }
0x151: {  	s0 =	simm.s32 @!p0 $0x3  }
0x152: {  	_ =	swait.ge @!p0 [sflag:s0], s1  }
0x153: {  	s1 =	ssub.s32 @!p0 $0x0, s1;
	[sflag:s0] =	ssyncset.done @!p0 $0x0  }
0x154: {  	[sflag:s0] =	ssyncadd.s32 @!p0 s1  }
0x155: {  	[bflag:$0x3] =	sbarrier.arrive $0xFFFF  }
0x156: {  	_ =	shalt  }

</sc_bundles>
